<compile_context>
chip_gen: v7x
topology: tpu7x:2x2x1
jax: 0.10.2.dev20260603
libtpu: 0.0.44.dev20260713+nightly
codegen_flags: <defaults>
</compile_context>

<pallas_src>
import functools

import jax
import jax.numpy as jnp
from jax import lax
from jax.experimental import pallas as pl
from jax.experimental.pallas import tpu as pltpu
from jax.experimental.pallas import tpu_sc as plsc

N_NODES = 10000
N_EDGES = 320000
D = 128

NC = 2
NS = 16
NW = NC * NS

EPT = N_EDGES // NW
CHUNK = 80
NCHUNK = EPT // CHUNK
N_PAD = 10240
ROWS_PT = N_PAD // NS


def _tc_front(x_ref, wcat_ref, m_ref):
    p = lax.dot_general(x_ref[...], wcat_ref[...],
                        (((1,), (1,)), ((), ())),
                        preferred_element_type=jnp.float32)
    msg = p[:, :D]
    gam = p[:, D:2 * D]
    bet = p[:, 2 * D:]
    m_ref[...] = jnp.maximum(gam * msg + bet, 0.0)


def _tc_back(ha_ref, hb_ref, g_ref, b_ref, out_ref):
    h = ha_ref[...] + hb_ref[...]
    mean = jnp.mean(h, axis=-1, keepdims=True)
    cen = h - mean
    var = jnp.mean(cen * cen, axis=-1, keepdims=True)
    out_ref[...] = cen * lax.rsqrt(var + 1e-5) * g_ref[...] + b_ref[...]


NBUF = 4
NI = 16


def _sc_scatter(m_hbm, src_hbm, dst_hbm, out0_hbm, out1_hbm,
                srcr_v, dstr_v, rows_v, h_sh, isem, gsem):
    c = lax.axis_index("c")
    s = lax.axis_index("s")
    wid = c * NS + s
    base = wid * EPT

    def idx_start(i):
        sl = lax.rem(i, NI)
        off = base + i * CHUNK
        pltpu.async_copy(src_hbm.at[pl.ds(off, CHUNK)], srcr_v.at[sl], isem)
        pltpu.async_copy(dst_hbm.at[pl.ds(off, CHUNK)], dstr_v.at[sl], isem)

    def idx_wait(i):
        sl = lax.rem(i, NI)
        pltpu.make_async_copy(src_hbm.at[pl.ds(base, CHUNK)],
                              srcr_v.at[sl], isem).wait()
        pltpu.make_async_copy(dst_hbm.at[pl.ds(base, CHUNK)],
                              dstr_v.at[sl], isem).wait()

    def gather_start(i):
        pltpu.async_copy(m_hbm.at[srcr_v.at[lax.rem(i, NI)]],
                         rows_v.at[lax.rem(i, NBUF)], gsem)

    def gather_wait(i):
        pltpu.make_async_copy(m_hbm.at[srcr_v.at[lax.rem(i, NI)]],
                              rows_v.at[lax.rem(i, NBUF)], gsem).wait()

    for k in range(NI):
        idx_start(k)

    z16 = jnp.zeros((16,), jnp.float32)

    def zfill(i, carry):
        for j in range(D // 16):
            rows_v[0, i, pl.ds(j * 16, 16)] = z16
        return carry

    lax.fori_loop(0, CHUNK, zfill, 0)
    for j in range(ROWS_PT // CHUNK):
        pltpu.sync_copy(rows_v.at[0],
                        h_sh.at[pl.ds(s * ROWS_PT + j * CHUNK, CHUNK)])
    plsc.subcore_barrier()

    for k in range(NBUF):
        idx_wait(k)
        gather_start(k)

    def body(i, carry):
        gather_wait(i)
        pltpu.sync_copy(rows_v.at[lax.rem(i, NBUF)],
                        h_sh.at[dstr_v.at[lax.rem(i, NI)]], add=True)

        @pl.when(i + NBUF < NCHUNK)
        def _():
            idx_wait(i + NBUF)
            gather_start(i + NBUF)

        @pl.when(i + NI < NCHUNK)
        def _():
            idx_start(i + NI)

        return carry

    lax.fori_loop(0, NCHUNK, body, 0)
    plsc.subcore_barrier()

    @pl.when(c == 0)
    def _():
        pltpu.sync_copy(h_sh.at[pl.ds(s * ROWS_PT, ROWS_PT)],
                        out0_hbm.at[pl.ds(s * ROWS_PT, ROWS_PT)])

    @pl.when(c == 1)
    def _():
        pltpu.sync_copy(h_sh.at[pl.ds(s * ROWS_PT, ROWS_PT)],
                        out1_hbm.at[pl.ds(s * ROWS_PT, ROWS_PT)])


_sc_call = functools.partial(
    pl.kernel,
    mesh=plsc.VectorSubcoreMesh(core_axis_name="c", subcore_axis_name="s"),
    out_type=[jax.ShapeDtypeStruct((N_PAD, D), jnp.float32),
              jax.ShapeDtypeStruct((N_PAD, D), jnp.float32)],
    scratch_types=[
        pltpu.VMEM((NI, CHUNK), jnp.int32),
        pltpu.VMEM((NI, CHUNK), jnp.int32),
        pltpu.VMEM((NBUF, CHUNK, D), jnp.float32),
        pltpu.VMEM_SHARED((N_PAD, D), jnp.float32),
        pltpu.SemaphoreType.DMA,
        pltpu.SemaphoreType.DMA,
    ],
)(_sc_scatter)


def kernel(x, edge_index, W, W_film, ln_gamma, ln_beta):
    wcat = jnp.concatenate([W, W_film], axis=0)
    src = edge_index[0].astype(jnp.int32)
    dst = edge_index[1].astype(jnp.int32)

    rb = 1000
    grid = (N_NODES // rb,)

    m = pl.pallas_call(
        _tc_front,
        grid=grid,
        in_specs=[
            pl.BlockSpec((rb, D), lambda i: (i, 0)),
            pl.BlockSpec((3 * D, D), lambda i: (0, 0)),
        ],
        out_specs=pl.BlockSpec((rb, D), lambda i: (i, 0)),
        out_shape=jax.ShapeDtypeStruct((N_NODES, D), jnp.float32),
    )(x, wcat)

    h0, h1 = _sc_call(m, src, dst)

    g2 = ln_gamma.reshape(1, D)
    b2 = ln_beta.reshape(1, D)
    out = pl.pallas_call(
        _tc_back,
        grid=grid,
        in_specs=[
            pl.BlockSpec((rb, D), lambda i: (i, 0)),
            pl.BlockSpec((rb, D), lambda i: (i, 0)),
            pl.BlockSpec((1, D), lambda i: (0, 0)),
            pl.BlockSpec((1, D), lambda i: (0, 0)),
        ],
        out_specs=pl.BlockSpec((rb, D), lambda i: (i, 0)),
        out_shape=jax.ShapeDtypeStruct((N_NODES, D), jnp.float32),
    )(h0, h1, g2, b2)
    return out

# --- scband reference (transcript-rebuilt; emitter-appended) ---
"""Pipeline reference for scband-gnnfi-lmlayer-7481833030223 (READ-ONLY COPY).

The authoritative reference and input builder live on the scoring server;
editing this copy changes nothing except your own understanding.
"""

import jax, jax.numpy as jnp
import numpy as np

N_NODES = 10000
N_EDGES = 320000
IN_SIZE = 128
OUT_SIZE = 128


def setup_inputs(seed: int = 0) -> dict:
    key = jax.random.key(seed)
    k1, k2, k3, k4 = jax.random.split(key, 4)
    x = jax.random.normal(k1, (N_NODES, IN_SIZE), dtype=jnp.float32)
    edge_index = jax.random.randint(k2, (2, N_EDGES), 0, N_NODES, dtype=jnp.int64)
    # Learned parameters (torch Linear weight layout: [out, in], bias=False)
    W = jax.random.normal(k3, (OUT_SIZE, IN_SIZE), dtype=jnp.float32) / np.sqrt(IN_SIZE)
    W_film = jax.random.normal(k4, (2 * OUT_SIZE, IN_SIZE), dtype=jnp.float32) / np.sqrt(IN_SIZE)
    ln_gamma = jnp.ones((OUT_SIZE,), dtype=jnp.float32)
    ln_beta = jnp.zeros((OUT_SIZE,), dtype=jnp.float32)
    return {"x": x, "edge_index": edge_index, "W": W, "W_film": W_film,
            "ln_gamma": ln_gamma, "ln_beta": ln_beta}


def reference(x, edge_index, W, W_film, ln_gamma, ln_beta):
    out_size = W.shape[0]
    # messages = self.W(feat)
    messages = x @ W.T
    # film_weights = self.film(feat); split into gamma / beta
    film_weights = x @ W_film.T
    gamma = film_weights[:, :out_size]
    beta = film_weights[:, out_size:]
    # FiLM modulation + ReLU
    messages = jax.nn.relu(gamma * messages + beta)
    # block_compute with copy_u('message','m') + sum('m','h'):
    # gather messages at src nodes, scatter-add into dst nodes
    src = edge_index[0]
    dst = edge_index[1]
    gathered = jnp.take(messages, src, axis=0)
    h = jax.ops.segment_sum(gathered, dst, num_segments=x.shape[0])
    # LayerNorm (eps=1e-5); dropout is identity in eval / deterministic reference
    mean = jnp.mean(h, axis=-1, keepdims=True)
    var = jnp.var(h, axis=-1, keepdims=True)
    out = (h - mean) / jnp.sqrt(var + 1e-5) * ln_gamma + ln_beta
    return out

if __name__ == "__main__":
    import jax
    _d = setup_inputs()
    print(jax.jit(kernel)(*tuple(_d.values())))

</pallas_src>

<mosaic_0001>
#map = affine_map<(d0, d1) -> (0, 0)>
#map1 = affine_map<(d0, d1) -> (0)>
module attributes {stable_mosaic.version = 14 : i64} {
  func.func @_sc_scatter(%arg0: i32, %arg1: i32, %arg2: memref<10000x128xf32, #tpu.memory_space<hbm>>, %arg3: memref<320000xi32, #tpu.memory_space<hbm>>, %arg4: memref<320000xi32, #tpu.memory_space<hbm>>, %arg5: memref<10240x128xf32, #tpu.memory_space<hbm>>, %arg6: memref<10240x128xf32, #tpu.memory_space<hbm>>, %arg7: memref<16x80xi32, #tpu.memory_space<vmem>>, %arg8: memref<16x80xi32, #tpu.memory_space<vmem>>, %arg9: memref<4x80x128xf32, #tpu.memory_space<vmem>>, %arg10: memref<10240x128xf32, #tpu.memory_space<vmem_shared>>, %arg11: memref<!tpu.dma_semaphore, #tpu.memory_space<semaphore_mem>>, %arg12: memref<!tpu.dma_semaphore, #tpu.memory_space<semaphore_mem>>) attributes {dimension_semantics = [#tpu.dimension_semantics<core_parallel>, #tpu.dimension_semantics<subcore_parallel>], iteration_bounds = array<i64: 2, 16>, scalar_prefetch = 0 : i64, scratch_operands = 6 : i64, tpu.core_type = #tpu.core_type<sc_vector_subcore>, window_params = [{transform_indices = #map}, {transform_indices = #map1}, {transform_indices = #map1}, {transform_indices = #map}, {transform_indices = #map}]} {
    %mul3A = arith.constant 16 : i32
    %mul3A_0 = arith.muli %arg0, %mul3A : i32
    %add3A = arith.addi %mul3A_0, %arg1 : i32
    %mul3A_1 = arith.constant 10000 : i32
    %mul3A_2 = arith.muli %add3A, %mul3A_1 : i32
    %rem3A = arith.constant 0 : i32
    %rem3A_3 = arith.constant 16 : i32
    %rem3A_4 = arith.remsi %rem3A, %rem3A_3 : i32
    %add3A_5 = arith.constant 0 : i32
    %add3A_6 = arith.addi %mul3A_2, %add3A_5 : i32
    %dma_start3A = arith.constant 0 : i32
    %dma_start3A_7 = tpu.memref_slice %arg7[%rem3A_4, %dma_start3A] : memref<16x80xi32, #tpu.memory_space<vmem>> -> memref<1x80xi32, #tpu.memory_space<vmem>>
    %dma_start3A_8 = tpu.memref_squeeze %dma_start3A_7 : memref<1x80xi32, #tpu.memory_space<vmem>> -> memref<80xi32, #tpu.memory_space<vmem>>
    %dma_start3A_9 = tpu.memref_slice %arg3[%add3A_6] : memref<320000xi32, #tpu.memory_space<hbm>> -> memref<80xi32, #tpu.memory_space<hbm>>
    %dma_start3A_10 = arith.constant 0 : i32
    %dma_start3A_11 = tpu.memref_slice %arg7[%rem3A_4, %dma_start3A_10] : memref<16x80xi32, #tpu.memory_space<vmem>> -> memref<1x80xi32, #tpu.memory_space<vmem>>
    %dma_start3A_12 = tpu.memref_squeeze %dma_start3A_11 : memref<1x80xi32, #tpu.memory_space<vmem>> -> memref<80xi32, #tpu.memory_space<vmem>>
    %dma_start3A_13 = tpu.memref_slice %arg3[%add3A_6] : memref<320000xi32, #tpu.memory_space<hbm>> -> memref<80xi32, #tpu.memory_space<hbm>>
    tpu.enqueue_dma source(%dma_start3A_13 : memref<80xi32, #tpu.memory_space<hbm>>) target(%dma_start3A_12 : memref<80xi32, #tpu.memory_space<vmem>>) target_semaphore(%arg11 : memref<!tpu.dma_semaphore, #tpu.memory_space<semaphore_mem>>)
    %dma_start3A_14 = arith.constant 0 : i32
    %dma_start3A_15 = tpu.memref_slice %arg8[%rem3A_4, %dma_start3A_14] : memref<16x80xi32, #tpu.memory_space<vmem>> -> memref<1x80xi32, #tpu.memory_space<vmem>>
    %dma_start3A_16 = tpu.memref_squeeze %dma_start3A_15 : memref<1x80xi32, #tpu.memory_space<vmem>> -> memref<80xi32, #tpu.memory_space<vmem>>
    %dma_start3A_17 = tpu.memref_slice %arg4[%add3A_6] : memref<320000xi32, #tpu.memory_space<hbm>> -> memref<80xi32, #tpu.memory_space<hbm>>
    %dma_start3A_18 = arith.constant 0 : i32
    %dma_start3A_19 = tpu.memref_slice %arg8[%rem3A_4, %dma_start3A_18] : memref<16x80xi32, #tpu.memory_space<vmem>> -> memref<1x80xi32, #tpu.memory_space<vmem>>
    %dma_start3A_20 = tpu.memref_squeeze %dma_start3A_19 : memref<1x80xi32, #tpu.memory_space<vmem>> -> memref<80xi32, #tpu.memory_space<vmem>>
    %dma_start3A_21 = tpu.memref_slice %arg4[%add3A_6] : memref<320000xi32, #tpu.memory_space<hbm>> -> memref<80xi32, #tpu.memory_space<hbm>>
    tpu.enqueue_dma source(%dma_start3A_21 : memref<80xi32, #tpu.memory_space<hbm>>) target(%dma_start3A_20 : memref<80xi32, #tpu.memory_space<vmem>>) target_semaphore(%arg11 : memref<!tpu.dma_semaphore, #tpu.memory_space<semaphore_mem>>)
    %rem3A_22 = arith.constant 1 : i32
    %rem3A_23 = arith.constant 16 : i32
    %rem3A_24 = arith.remsi %rem3A_22, %rem3A_23 : i32
    %add3A_25 = arith.constant 80 : i32
    %add3A_26 = arith.addi %mul3A_2, %add3A_25 : i32
    %dma_start3A_27 = arith.constant 0 : i32
    %dma_start3A_28 = tpu.memref_slice %arg7[%rem3A_24, %dma_start3A_27] : memref<16x80xi32, #tpu.memory_space<vmem>> -> memref<1x80xi32, #tpu.memory_space<vmem>>
    %dma_start3A_29 = tpu.memref_squeeze %dma_start3A_28 : memref<1x80xi32, #tpu.memory_space<vmem>> -> memref<80xi32, #tpu.memory_space<vmem>>
    %dma_start3A_30 = tpu.memref_slice %arg3[%add3A_26] : memref<320000xi32, #tpu.memory_space<hbm>> -> memref<80xi32, #tpu.memory_space<hbm>>
    %dma_start3A_31 = arith.constant 0 : i32
    %dma_start3A_32 = tpu.memref_slice %arg7[%rem3A_24, %dma_start3A_31] : memref<16x80xi32, #tpu.memory_space<vmem>> -> memref<1x80xi32, #tpu.memory_space<vmem>>
    %dma_start3A_33 = tpu.memref_squeeze %dma_start3A_32 : memref<1x80xi32, #tpu.memory_space<vmem>> -> memref<80xi32, #tpu.memory_space<vmem>>
    %dma_start3A_34 = tpu.memref_slice %arg3[%add3A_26] : memref<320000xi32, #tpu.memory_space<hbm>> -> memref<80xi32, #tpu.memory_space<hbm>>
    tpu.enqueue_dma source(%dma_start3A_34 : memref<80xi32, #tpu.memory_space<hbm>>) target(%dma_start3A_33 : memref<80xi32, #tpu.memory_space<vmem>>) target_semaphore(%arg11 : memref<!tpu.dma_semaphore, #tpu.memory_space<semaphore_mem>>)
    %dma_start3A_35 = arith.constant 0 : i32
    %dma_start3A_36 = tpu.memref_slice %arg8[%rem3A_24, %dma_start3A_35] : memref<16x80xi32, #tpu.memory_space<vmem>> -> memref<1x80xi32, #tpu.memory_space<vmem>>
    %dma_start3A_37 = tpu.memref_squeeze %dma_start3A_36 : memref<1x80xi32, #tpu.memory_space<vmem>> -> memref<80xi32, #tpu.memory_space<vmem>>
    %dma_start3A_38 = tpu.memref_slice %arg4[%add3A_26] : memref<320000xi32, #tpu.memory_space<hbm>> -> memref<80xi32, #tpu.memory_space<hbm>>
    %dma_start3A_39 = arith.constant 0 : i32
    %dma_start3A_40 = tpu.memref_slice %arg8[%rem3A_24, %dma_start3A_39] : memref<16x80xi32, #tpu.memory_space<vmem>> -> memref<1x80xi32, #tpu.memory_space<vmem>>
    %dma_start3A_41 = tpu.memref_squeeze %dma_start3A_40 : memref<1x80xi32, #tpu.memory_space<vmem>> -> memref<80xi32, #tpu.memory_space<vmem>>
    %dma_start3A_42 = tpu.memref_slice %arg4[%add3A_26] : memref<320000xi32, #tpu.memory_space<hbm>> -> memref<80xi32, #tpu.memory_space<hbm>>
    tpu.enqueue_dma source(%dma_start3A_42 : memref<80xi32, #tpu.memory_space<hbm>>) target(%dma_start3A_41 : memref<80xi32, #tpu.memory_space<vmem>>) target_semaphore(%arg11 : memref<!tpu.dma_semaphore, #tpu.memory_space<semaphore_mem>>)
    %rem3A_43 = arith.constant 2 : i32
    %rem3A_44 = arith.constant 16 : i32
    %rem3A_45 = arith.remsi %rem3A_43, %rem3A_44 : i32
    %add3A_46 = arith.constant 160 : i32
    %add3A_47 = arith.addi %mul3A_2, %add3A_46 : i32
    %dma_start3A_48 = arith.constant 0 : i32
    %dma_start3A_49 = tpu.memref_slice %arg7[%rem3A_45, %dma_start3A_48] : memref<16x80xi32, #tpu.memory_space<vmem>> -> memref<1x80xi32, #tpu.memory_space<vmem>>
    %dma_start3A_50 = tpu.memref_squeeze %dma_start3A_49 : memref<1x80xi32, #tpu.memory_space<vmem>> -> memref<80xi32, #tpu.memory_space<vmem>>
    %dma_start3A_51 = tpu.memref_slice %arg3[%add3A_47] : memref<320000xi32, #tpu.memory_space<hbm>> -> memref<80xi32, #tpu.memory_space<hbm>>
    %dma_start3A_52 = arith.constant 0 : i32
    %dma_start3A_53 = tpu.memref_slice %arg7[%rem3A_45, %dma_start3A_52] : memref<16x80xi32, #tpu.memory_space<vmem>> -> memref<1x80xi32, #tpu.memory_space<vmem>>
    %dma_start3A_54 = tpu.memref_squeeze %dma_start3A_53 : memref<1x80xi32, #tpu.memory_space<vmem>> -> memref<80xi32, #tpu.memory_space<vmem>>
    %dma_start3A_55 = tpu.memref_slice %arg3[%add3A_47] : memref<320000xi32, #tpu.memory_space<hbm>> -> memref<80xi32, #tpu.memory_space<hbm>>
    tpu.enqueue_dma source(%dma_start3A_55 : memref<80xi32, #tpu.memory_space<hbm>>) target(%dma_start3A_54 : memref<80xi32, #tpu.memory_space<vmem>>) target_semaphore(%arg11 : memref<!tpu.dma_semaphore, #tpu.memory_space<semaphore_mem>>)
    %dma_start3A_56 = arith.constant 0 : i32
    %dma_start3A_57 = tpu.memref_slice %arg8[%rem3A_45, %dma_start3A_56] : memref<16x80xi32, #tpu.memory_space<vmem>> -> memref<1x80xi32, #tpu.memory_space<vmem>>
    %dma_start3A_58 = tpu.memref_squeeze %dma_start3A_57 : memref<1x80xi32, #tpu.memory_space<vmem>> -> memref<80xi32, #tpu.memory_space<vmem>>
    %dma_start3A_59 = tpu.memref_slice %arg4[%add3A_47] : memref<320000xi32, #tpu.memory_space<hbm>> -> memref<80xi32, #tpu.memory_space<hbm>>
    %dma_start3A_60 = arith.constant 0 : i32
    %dma_start3A_61 = tpu.memref_slice %arg8[%rem3A_45, %dma_start3A_60] : memref<16x80xi32, #tpu.memory_space<vmem>> -> memref<1x80xi32, #tpu.memory_space<vmem>>
    %dma_start3A_62 = tpu.memref_squeeze %dma_start3A_61 : memref<1x80xi32, #tpu.memory_space<vmem>> -> memref<80xi32, #tpu.memory_space<vmem>>
    %dma_start3A_63 = tpu.memref_slice %arg4[%add3A_47] : memref<320000xi32, #tpu.memory_space<hbm>> -> memref<80xi32, #tpu.memory_space<hbm>>
    tpu.enqueue_dma source(%dma_start3A_63 : memref<80xi32, #tpu.memory_space<hbm>>) target(%dma_start3A_62 : memref<80xi32, #tpu.memory_space<vmem>>) target_semaphore(%arg11 : memref<!tpu.dma_semaphore, #tpu.memory_space<semaphore_mem>>)
    %rem3A_64 = arith.constant 3 : i32
    %rem3A_65 = arith.constant 16 : i32
    %rem3A_66 = arith.remsi %rem3A_64, %rem3A_65 : i32
    %add3A_67 = arith.constant 240 : i32
    %add3A_68 = arith.addi %mul3A_2, %add3A_67 : i32
    %dma_start3A_69 = arith.constant 0 : i32
    %dma_start3A_70 = tpu.memref_slice %arg7[%rem3A_66, %dma_start3A_69] : memref<16x80xi32, #tpu.memory_space<vmem>> -> memref<1x80xi32, #tpu.memory_space<vmem>>
    %dma_start3A_71 = tpu.memref_squeeze %dma_start3A_70 : memref<1x80xi32, #tpu.memory_space<vmem>> -> memref<80xi32, #tpu.memory_space<vmem>>
    %dma_start3A_72 = tpu.memref_slice %arg3[%add3A_68] : memref<320000xi32, #tpu.memory_space<hbm>> -> memref<80xi32, #tpu.memory_space<hbm>>
    %dma_start3A_73 = arith.constant 0 : i32
    %dma_start3A_74 = tpu.memref_slice %arg7[%rem3A_66, %dma_start3A_73] : memref<16x80xi32, #tpu.memory_space<vmem>> -> memref<1x80xi32, #tpu.memory_space<vmem>>
    %dma_start3A_75 = tpu.memref_squeeze %dma_start3A_74 : memref<1x80xi32, #tpu.memory_space<vmem>> -> memref<80xi32, #tpu.memory_space<vmem>>
    %dma_start3A_76 = tpu.memref_slice %arg3[%add3A_68] : memref<320000xi32, #tpu.memory_space<hbm>> -> memref<80xi32, #tpu.memory_space<hbm>>
    tpu.enqueue_dma source(%dma_start3A_76 : memref<80xi32, #tpu.memory_space<hbm>>) target(%dma_start3A_75 : memref<80xi32, #tpu.memory_space<vmem>>) target_semaphore(%arg11 : memref<!tpu.dma_semaphore, #tpu.memory_space<semaphore_mem>>)
    %dma_start3A_77 = arith.constant 0 : i32
    %dma_start3A_78 = tpu.memref_slice %arg8[%rem3A_66, %dma_start3A_77] : memref<16x80xi32, #tpu.memory_space<vmem>> -> memref<1x80xi32, #tpu.memory_space<vmem>>
    %dma_start3A_79 = tpu.memref_squeeze %dma_start3A_78 : memref<1x80xi32, #tpu.memory_space<vmem>> -> memref<80xi32, #tpu.memory_space<vmem>>
    %dma_start3A_80 = tpu.memref_slice %arg4[%add3A_68] : memref<320000xi32, #tpu.memory_space<hbm>> -> memref<80xi32, #tpu.memory_space<hbm>>
    %dma_start3A_81 = arith.constant 0 : i32
    %dma_start3A_82 = tpu.memref_slice %arg8[%rem3A_66, %dma_start3A_81] : memref<16x80xi32, #tpu.memory_space<vmem>> -> memref<1x80xi32, #tpu.memory_space<vmem>>
    %dma_start3A_83 = tpu.memref_squeeze %dma_start3A_82 : memref<1x80xi32, #tpu.memory_space<vmem>> -> memref<80xi32, #tpu.memory_space<vmem>>
    %dma_start3A_84 = tpu.memref_slice %arg4[%add3A_68] : memref<320000xi32, #tpu.memory_space<hbm>> -> memref<80xi32, #tpu.memory_space<hbm>>
    tpu.enqueue_dma source(%dma_start3A_84 : memref<80xi32, #tpu.memory_space<hbm>>) target(%dma_start3A_83 : memref<80xi32, #tpu.memory_space<vmem>>) target_semaphore(%arg11 : memref<!tpu.dma_semaphore, #tpu.memory_space<semaphore_mem>>)
    %rem3A_85 = arith.constant 4 : i32
    %rem3A_86 = arith.constant 16 : i32
    %rem3A_87 = arith.remsi %rem3A_85, %rem3A_86 : i32
    %add3A_88 = arith.constant 320 : i32
    %add3A_89 = arith.addi %mul3A_2, %add3A_88 : i32
    %dma_start3A_90 = arith.constant 0 : i32
    %dma_start3A_91 = tpu.memref_slice %arg7[%rem3A_87, %dma_start3A_90] : memref<16x80xi32, #tpu.memory_space<vmem>> -> memref<1x80xi32, #tpu.memory_space<vmem>>
    %dma_start3A_92 = tpu.memref_squeeze %dma_start3A_91 : memref<1x80xi32, #tpu.memory_space<vmem>> -> memref<80xi32, #tpu.memory_space<vmem>>
    %dma_start3A_93 = tpu.memref_slice %arg3[%add3A_89] : memref<320000xi32, #tpu.memory_space<hbm>> -> memref<80xi32, #tpu.memory_space<hbm>>
    %dma_start3A_94 = arith.constant 0 : i32
    %dma_start3A_95 = tpu.memref_slice %arg7[%rem3A_87, %dma_start3A_94] : memref<16x80xi32, #tpu.memory_space<vmem>> -> memref<1x80xi32, #tpu.memory_space<vmem>>
    %dma_start3A_96 = tpu.memref_squeeze %dma_start3A_95 : memref<1x80xi32, #tpu.memory_space<vmem>> -> memref<80xi32, #tpu.memory_space<vmem>>
    %dma_start3A_97 = tpu.memref_slice %arg3[%add3A_89] : memref<320000xi32, #tpu.memory_space<hbm>> -> memref<80xi32, #tpu.memory_space<hbm>>
    tpu.enqueue_dma source(%dma_start3A_97 : memref<80xi32, #tpu.memory_space<hbm>>) target(%dma_start3A_96 : memref<80xi32, #tpu.memory_space<vmem>>) target_semaphore(%arg11 : memref<!tpu.dma_semaphore, #tpu.memory_space<semaphore_mem>>)
    %dma_start3A_98 = arith.constant 0 : i32
    %dma_start3A_99 = tpu.memref_slice %arg8[%rem3A_87, %dma_start3A_98] : memref<16x80xi32, #tpu.memory_space<vmem>> -> memref<1x80xi32, #tpu.memory_space<vmem>>
    %dma_start3A_100 = tpu.memref_squeeze %dma_start3A_99 : memref<1x80xi32, #tpu.memory_space<vmem>> -> memref<80xi32, #tpu.memory_space<vmem>>
    %dma_start3A_101 = tpu.memref_slice %arg4[%add3A_89] : memref<320000xi32, #tpu.memory_space<hbm>> -> memref<80xi32, #tpu.memory_space<hbm>>
    %dma_start3A_102 = arith.constant 0 : i32
    %dma_start3A_103 = tpu.memref_slice %arg8[%rem3A_87, %dma_start3A_102] : memref<16x80xi32, #tpu.memory_space<vmem>> -> memref<1x80xi32, #tpu.memory_space<vmem>>
    %dma_start3A_104 = tpu.memref_squeeze %dma_start3A_103 : memref<1x80xi32, #tpu.memory_space<vmem>> -> memref<80xi32, #tpu.memory_space<vmem>>
    %dma_start3A_105 = tpu.memref_slice %arg4[%add3A_89] : memref<320000xi32, #tpu.memory_space<hbm>> -> memref<80xi32, #tpu.memory_space<hbm>>
    tpu.enqueue_dma source(%dma_start3A_105 : memref<80xi32, #tpu.memory_space<hbm>>) target(%dma_start3A_104 : memref<80xi32, #tpu.memory_space<vmem>>) target_semaphore(%arg11 : memref<!tpu.dma_semaphore, #tpu.memory_space<semaphore_mem>>)
    %rem3A_106 = arith.constant 5 : i32
    %rem3A_107 = arith.constant 16 : i32
    %rem3A_108 = arith.remsi %rem3A_106, %rem3A_107 : i32
    %add3A_109 = arith.constant 400 : i32
    %add3A_110 = arith.addi %mul3A_2, %add3A_109 : i32
    %dma_start3A_111 = arith.constant 0 : i32
    %dma_start3A_112 = tpu.memref_slice %arg7[%rem3A_108, %dma_start3A_111] : memref<16x80xi32, #tpu.memory_space<vmem>> -> memref<1x80xi32, #tpu.memory_space<vmem>>
    %dma_start3A_113 = tpu.memref_squeeze %dma_start3A_112 : memref<1x80xi32, #tpu.memory_space<vmem>> -> memref<80xi32, #tpu.memory_space<vmem>>
    %dma_start3A_114 = tpu.memref_slice %arg3[%add3A_110] : memref<320000xi32, #tpu.memory_space<hbm>> -> memref<80xi32, #tpu.memory_space<hbm>>
    %dma_start3A_115 = arith.constant 0 : i32
    %dma_start3A_116 = tpu.memref_slice %arg7[%rem3A_108, %dma_start3A_115] : memref<16x80xi32, #tpu.memory_space<vmem>> -> memref<1x80xi32, #tpu.memory_space<vmem>>
    %dma_start3A_117 = tpu.memref_squeeze %dma_start3A_116 : memref<1x80xi32, #tpu.memory_space<vmem>> -> memref<80xi32, #tpu.memory_space<vmem>>
    %dma_start3A_118 = tpu.memref_slice %arg3[%add3A_110] : memref<320000xi32, #tpu.memory_space<hbm>> -> memref<80xi32, #tpu.memory_space<hbm>>
    tpu.enqueue_dma source(%dma_start3A_118 : memref<80xi32, #tpu.memory_space<hbm>>) target(%dma_start3A_117 : memref<80xi32, #tpu.memory_space<vmem>>) target_semaphore(%arg11 : memref<!tpu.dma_semaphore, #tpu.memory_space<semaphore_mem>>)
    %dma_start3A_119 = arith.constant 0 : i32
    %dma_start3A_120 = tpu.memref_slice %arg8[%rem3A_108, %dma_start3A_119] : memref<16x80xi32, #tpu.memory_space<vmem>> -> memref<1x80xi32, #tpu.memory_space<vmem>>
    %dma_start3A_121 = tpu.memref_squeeze %dma_start3A_120 : memref<1x80xi32, #tpu.memory_space<vmem>> -> memref<80xi32, #tpu.memory_space<vmem>>
    %dma_start3A_122 = tpu.memref_slice %arg4[%add3A_110] : memref<320000xi32, #tpu.memory_space<hbm>> -> memref<80xi32, #tpu.memory_space<hbm>>
    %dma_start3A_123 = arith.constant 0 : i32
    %dma_start3A_124 = tpu.memref_slice %arg8[%rem3A_108, %dma_start3A_123] : memref<16x80xi32, #tpu.memory_space<vmem>> -> memref<1x80xi32, #tpu.memory_space<vmem>>
    %dma_start3A_125 = tpu.memref_squeeze %dma_start3A_124 : memref<1x80xi32, #tpu.memory_space<vmem>> -> memref<80xi32, #tpu.memory_space<vmem>>
    %dma_start3A_126 = tpu.memref_slice %arg4[%add3A_110] : memref<320000xi32, #tpu.memory_space<hbm>> -> memref<80xi32, #tpu.memory_space<hbm>>
    tpu.enqueue_dma source(%dma_start3A_126 : memref<80xi32, #tpu.memory_space<hbm>>) target(%dma_start3A_125 : memref<80xi32, #tpu.memory_space<vmem>>) target_semaphore(%arg11 : memref<!tpu.dma_semaphore, #tpu.memory_space<semaphore_mem>>)
    %rem3A_127 = arith.constant 6 : i32
    %rem3A_128 = arith.constant 16 : i32
    %rem3A_129 = arith.remsi %rem3A_127, %rem3A_128 : i32
    %add3A_130 = arith.constant 480 : i32
    %add3A_131 = arith.addi %mul3A_2, %add3A_130 : i32
    %dma_start3A_132 = arith.constant 0 : i32
    %dma_start3A_133 = tpu.memref_slice %arg7[%rem3A_129, %dma_start3A_132] : memref<16x80xi32, #tpu.memory_space<vmem>> -> memref<1x80xi32, #tpu.memory_space<vmem>>
    %dma_start3A_134 = tpu.memref_squeeze %dma_start3A_133 : memref<1x80xi32, #tpu.memory_space<vmem>> -> memref<80xi32, #tpu.memory_space<vmem>>
    %dma_start3A_135 = tpu.memref_slice %arg3[%add3A_131] : memref<320000xi32, #tpu.memory_space<hbm>> -> memref<80xi32, #tpu.memory_space<hbm>>
    %dma_start3A_136 = arith.constant 0 : i32
    %dma_start3A_137 = tpu.memref_slice %arg7[%rem3A_129, %dma_start3A_136] : memref<16x80xi32, #tpu.memory_space<vmem>> -> memref<1x80xi32, #tpu.memory_space<vmem>>
    %dma_start3A_138 = tpu.memref_squeeze %dma_start3A_137 : memref<1x80xi32, #tpu.memory_space<vmem>> -> memref<80xi32, #tpu.memory_space<vmem>>
    %dma_start3A_139 = tpu.memref_slice %arg3[%add3A_131] : memref<320000xi32, #tpu.memory_space<hbm>> -> memref<80xi32, #tpu.memory_space<hbm>>
    tpu.enqueue_dma source(%dma_start3A_139 : memref<80xi32, #tpu.memory_space<hbm>>) target(%dma_start3A_138 : memref<80xi32, #tpu.memory_space<vmem>>) target_semaphore(%arg11 : memref<!tpu.dma_semaphore, #tpu.memory_space<semaphore_mem>>)
    %dma_start3A_140 = arith.constant 0 : i32
    %dma_start3A_141 = tpu.memref_slice %arg8[%rem3A_129, %dma_start3A_140] : memref<16x80xi32, #tpu.memory_space<vmem>> -> memref<1x80xi32, #tpu.memory_space<vmem>>
    %dma_start3A_142 = tpu.memref_squeeze %dma_start3A_141 : memref<1x80xi32, #tpu.memory_space<vmem>> -> memref<80xi32, #tpu.memory_space<vmem>>
    %dma_start3A_143 = tpu.memref_slice %arg4[%add3A_131] : memref<320000xi32, #tpu.memory_space<hbm>> -> memref<80xi32, #tpu.memory_space<hbm>>
    %dma_start3A_144 = arith.constant 0 : i32
    %dma_start3A_145 = tpu.memref_slice %arg8[%rem3A_129, %dma_start3A_144] : memref<16x80xi32, #tpu.memory_space<vmem>> -> memref<1x80xi32, #tpu.memory_space<vmem>>
    %dma_start3A_146 = tpu.memref_squeeze %dma_start3A_145 : memref<1x80xi32, #tpu.memory_space<vmem>> -> memref<80xi32, #tpu.memory_space<vmem>>
    %dma_start3A_147 = tpu.memref_slice %arg4[%add3A_131] : memref<320000xi32, #tpu.memory_space<hbm>> -> memref<80xi32, #tpu.memory_space<hbm>>
    tpu.enqueue_dma source(%dma_start3A_147 : memref<80xi32, #tpu.memory_space<hbm>>) target(%dma_start3A_146 : memref<80xi32, #tpu.memory_space<vmem>>) target_semaphore(%arg11 : memref<!tpu.dma_semaphore, #tpu.memory_space<semaphore_mem>>)
    %rem3A_148 = arith.constant 7 : i32
    %rem3A_149 = arith.constant 16 : i32
    %rem3A_150 = arith.remsi %rem3A_148, %rem3A_149 : i32
    %add3A_151 = arith.constant 560 : i32
    %add3A_152 = arith.addi %mul3A_2, %add3A_151 : i32
    %dma_start3A_153 = arith.constant 0 : i32
    %dma_start3A_154 = tpu.memref_slice %arg7[%rem3A_150, %dma_start3A_153] : memref<16x80xi32, #tpu.memory_space<vmem>> -> memref<1x80xi32, #tpu.memory_space<vmem>>
    %dma_start3A_155 = tpu.memref_squeeze %dma_start3A_154 : memref<1x80xi32, #tpu.memory_space<vmem>> -> memref<80xi32, #tpu.memory_space<vmem>>
    %dma_start3A_156 = tpu.memref_slice %arg3[%add3A_152] : memref<320000xi32, #tpu.memory_space<hbm>> -> memref<80xi32, #tpu.memory_space<hbm>>
    %dma_start3A_157 = arith.constant 0 : i32
    %dma_start3A_158 = tpu.memref_slice %arg7[%rem3A_150, %dma_start3A_157] : memref<16x80xi32, #tpu.memory_space<vmem>> -> memref<1x80xi32, #tpu.memory_space<vmem>>
    %dma_start3A_159 = tpu.memref_squeeze %dma_start3A_158 : memref<1x80xi32, #tpu.memory_space<vmem>> -> memref<80xi32, #tpu.memory_space<vmem>>
    %dma_start3A_160 = tpu.memref_slice %arg3[%add3A_152] : memref<320000xi32, #tpu.memory_space<hbm>> -> memref<80xi32, #tpu.memory_space<hbm>>
    tpu.enqueue_dma source(%dma_start3A_160 : memref<80xi32, #tpu.memory_space<hbm>>) target(%dma_start3A_159 : memref<80xi32, #tpu.memory_space<vmem>>) target_semaphore(%arg11 : memref<!tpu.dma_semaphore, #tpu.memory_space<semaphore_mem>>)
    %dma_start3A_161 = arith.constant 0 : i32
    %dma_start3A_162 = tpu.memref_slice %arg8[%rem3A_150, %dma_start3A_161] : memref<16x80xi32, #tpu.memory_space<vmem>> -> memref<1x80xi32, #tpu.memory_space<vmem>>
    %dma_start3A_163 = tpu.memref_squeeze %dma_start3A_162 : memref<1x80xi32, #tpu.memory_space<vmem>> -> memref<80xi32, #tpu.memory_space<vmem>>
    %dma_start3A_164 = tpu.memref_slice %arg4[%add3A_152] : memref<320000xi32, #tpu.memory_space<hbm>> -> memref<80xi32, #tpu.memory_space<hbm>>
    %dma_start3A_165 = arith.constant 0 : i32
    %dma_start3A_166 = tpu.memref_slice %arg8[%rem3A_150, %dma_start3A_165] : memref<16x80xi32, #tpu.memory_space<vmem>> -> memref<1x80xi32, #tpu.memory_space<vmem>>
    %dma_start3A_167 = tpu.memref_squeeze %dma_start3A_166 : memref<1x80xi32, #tpu.memory_space<vmem>> -> memref<80xi32, #tpu.memory_space<vmem>>
    %dma_start3A_168 = tpu.memref_slice %arg4[%add3A_152] : memref<320000xi32, #tpu.memory_space<hbm>> -> memref<80xi32, #tpu.memory_space<hbm>>
    tpu.enqueue_dma source(%dma_start3A_168 : memref<80xi32, #tpu.memory_space<hbm>>) target(%dma_start3A_167 : memref<80xi32, #tpu.memory_space<vmem>>) target_semaphore(%arg11 : memref<!tpu.dma_semaphore, #tpu.memory_space<semaphore_mem>>)
    %rem3A_169 = arith.constant 8 : i32
    %rem3A_170 = arith.constant 16 : i32
    %rem3A_171 = arith.remsi %rem3A_169, %rem3A_170 : i32
    %add3A_172 = arith.constant 640 : i32
    %add3A_173 = arith.addi %mul3A_2, %add3A_172 : i32
    %dma_start3A_174 = arith.constant 0 : i32
    %dma_start3A_175 = tpu.memref_slice %arg7[%rem3A_171, %dma_start3A_174] : memref<16x80xi32, #tpu.memory_space<vmem>> -> memref<1x80xi32, #tpu.memory_space<vmem>>
    %dma_start3A_176 = tpu.memref_squeeze %dma_start3A_175 : memref<1x80xi32, #tpu.memory_space<vmem>> -> memref<80xi32, #tpu.memory_space<vmem>>
    %dma_start3A_177 = tpu.memref_slice %arg3[%add3A_173] : memref<320000xi32, #tpu.memory_space<hbm>> -> memref<80xi32, #tpu.memory_space<hbm>>
    %dma_start3A_178 = arith.constant 0 : i32
    %dma_start3A_179 = tpu.memref_slice %arg7[%rem3A_171, %dma_start3A_178] : memref<16x80xi32, #tpu.memory_space<vmem>> -> memref<1x80xi32, #tpu.memory_space<vmem>>
    %dma_start3A_180 = tpu.memref_squeeze %dma_start3A_179 : memref<1x80xi32, #tpu.memory_space<vmem>> -> memref<80xi32, #tpu.memory_space<vmem>>
    %dma_start3A_181 = tpu.memref_slice %arg3[%add3A_173] : memref<320000xi32, #tpu.memory_space<hbm>> -> memref<80xi32, #tpu.memory_space<hbm>>
    tpu.enqueue_dma source(%dma_start3A_181 : memref<80xi32, #tpu.memory_space<hbm>>) target(%dma_start3A_180 : memref<80xi32, #tpu.memory_space<vmem>>) target_semaphore(%arg11 : memref<!tpu.dma_semaphore, #tpu.memory_space<semaphore_mem>>)
    %dma_start3A_182 = arith.constant 0 : i32
    %dma_start3A_183 = tpu.memref_slice %arg8[%rem3A_171, %dma_start3A_182] : memref<16x80xi32, #tpu.memory_space<vmem>> -> memref<1x80xi32, #tpu.memory_space<vmem>>
    %dma_start3A_184 = tpu.memref_squeeze %dma_start3A_183 : memref<1x80xi32, #tpu.memory_space<vmem>> -> memref<80xi32, #tpu.memory_space<vmem>>
    %dma_start3A_185 = tpu.memref_slice %arg4[%add3A_173] : memref<320000xi32, #tpu.memory_space<hbm>> -> memref<80xi32, #tpu.memory_space<hbm>>
    %dma_start3A_186 = arith.constant 0 : i32
    %dma_start3A_187 = tpu.memref_slice %arg8[%rem3A_171, %dma_start3A_186] : memref<16x80xi32, #tpu.memory_space<vmem>> -> memref<1x80xi32, #tpu.memory_space<vmem>>
    %dma_start3A_188 = tpu.memref_squeeze %dma_start3A_187 : memref<1x80xi32, #tpu.memory_space<vmem>> -> memref<80xi32, #tpu.memory_space<vmem>>
    %dma_start3A_189 = tpu.memref_slice %arg4[%add3A_173] : memref<320000xi32, #tpu.memory_space<hbm>> -> memref<80xi32, #tpu.memory_space<hbm>>
    tpu.enqueue_dma source(%dma_start3A_189 : memref<80xi32, #tpu.memory_space<hbm>>) target(%dma_start3A_188 : memref<80xi32, #tpu.memory_space<vmem>>) target_semaphore(%arg11 : memref<!tpu.dma_semaphore, #tpu.memory_space<semaphore_mem>>)
    %rem3A_190 = arith.constant 9 : i32
    %rem3A_191 = arith.constant 16 : i32
    %rem3A_192 = arith.remsi %rem3A_190, %rem3A_191 : i32
    %add3A_193 = arith.constant 720 : i32
    %add3A_194 = arith.addi %mul3A_2, %add3A_193 : i32
    %dma_start3A_195 = arith.constant 0 : i32
    %dma_start3A_196 = tpu.memref_slice %arg7[%rem3A_192, %dma_start3A_195] : memref<16x80xi32, #tpu.memory_space<vmem>> -> memref<1x80xi32, #tpu.memory_space<vmem>>
    %dma_start3A_197 = tpu.memref_squeeze %dma_start3A_196 : memref<1x80xi32, #tpu.memory_space<vmem>> -> memref<80xi32, #tpu.memory_space<vmem>>
    %dma_start3A_198 = tpu.memref_slice %arg3[%add3A_194] : memref<320000xi32, #tpu.memory_space<hbm>> -> memref<80xi32, #tpu.memory_space<hbm>>
    %dma_start3A_199 = arith.constant 0 : i32
    %dma_start3A_200 = tpu.memref_slice %arg7[%rem3A_192, %dma_start3A_199] : memref<16x80xi32, #tpu.memory_space<vmem>> -> memref<1x80xi32, #tpu.memory_space<vmem>>
    %dma_start3A_201 = tpu.memref_squeeze %dma_start3A_200 : memref<1x80xi32, #tpu.memory_space<vmem>> -> memref<80xi32, #tpu.memory_space<vmem>>
    %dma_start3A_202 = tpu.memref_slice %arg3[%add3A_194] : memref<320000xi32, #tpu.memory_space<hbm>> -> memref<80xi32, #tpu.memory_space<hbm>>
    tpu.enqueue_dma source(%dma_start3A_202 : memref<80xi32, #tpu.memory_space<hbm>>) target(%dma_start3A_201 : memref<80xi32, #tpu.memory_space<vmem>>) target_semaphore(%arg11 : memref<!tpu.dma_semaphore, #tpu.memory_space<semaphore_mem>>)
    %dma_start3A_203 = arith.constant 0 : i32
    %dma_start3A_204 = tpu.memref_slice %arg8[%rem3A_192, %dma_start3A_203] : memref<16x80xi32, #tpu.memory_space<vmem>> -> memref<1x80xi32, #tpu.memory_space<vmem>>
    %dma_start3A_205 = tpu.memref_squeeze %dma_start3A_204 : memref<1x80xi32, #tpu.memory_space<vmem>> -> memref<80xi32, #tpu.memory_space<vmem>>
    %dma_start3A_206 = tpu.memref_slice %arg4[%add3A_194] : memref<320000xi32, #tpu.memory_space<hbm>> -> memref<80xi32, #tpu.memory_space<hbm>>
    %dma_start3A_207 = arith.constant 0 : i32
    %dma_start3A_208 = tpu.memref_slice %arg8[%rem3A_192, %dma_start3A_207] : memref<16x80xi32, #tpu.memory_space<vmem>> -> memref<1x80xi32, #tpu.memory_space<vmem>>
    %dma_start3A_209 = tpu.memref_squeeze %dma_start3A_208 : memref<1x80xi32, #tpu.memory_space<vmem>> -> memref<80xi32, #tpu.memory_space<vmem>>
    %dma_start3A_210 = tpu.memref_slice %arg4[%add3A_194] : memref<320000xi32, #tpu.memory_space<hbm>> -> memref<80xi32, #tpu.memory_space<hbm>>
    tpu.enqueue_dma source(%dma_start3A_210 : memref<80xi32, #tpu.memory_space<hbm>>) target(%dma_start3A_209 : memref<80xi32, #tpu.memory_space<vmem>>) target_semaphore(%arg11 : memref<!tpu.dma_semaphore, #tpu.memory_space<semaphore_mem>>)
    %rem3A_211 = arith.constant 10 : i32
    %rem3A_212 = arith.constant 16 : i32
    %rem3A_213 = arith.remsi %rem3A_211, %rem3A_212 : i32
    %add3A_214 = arith.constant 800 : i32
    %add3A_215 = arith.addi %mul3A_2, %add3A_214 : i32
    %dma_start3A_216 = arith.constant 0 : i32
    %dma_start3A_217 = tpu.memref_slice %arg7[%rem3A_213, %dma_start3A_216] : memref<16x80xi32, #tpu.memory_space<vmem>> -> memref<1x80xi32, #tpu.memory_space<vmem>>
    %dma_start3A_218 = tpu.memref_squeeze %dma_start3A_217 : memref<1x80xi32, #tpu.memory_space<vmem>> -> memref<80xi32, #tpu.memory_space<vmem>>
    %dma_start3A_219 = tpu.memref_slice %arg3[%add3A_215] : memref<320000xi32, #tpu.memory_space<hbm>> -> memref<80xi32, #tpu.memory_space<hbm>>
    %dma_start3A_220 = arith.constant 0 : i32
    %dma_start3A_221 = tpu.memref_slice %arg7[%rem3A_213, %dma_start3A_220] : memref<16x80xi32, #tpu.memory_space<vmem>> -> memref<1x80xi32, #tpu.memory_space<vmem>>
    %dma_start3A_222 = tpu.memref_squeeze %dma_start3A_221 : memref<1x80xi32, #tpu.memory_space<vmem>> -> memref<80xi32, #tpu.memory_space<vmem>>
    %dma_start3A_223 = tpu.memref_slice %arg3[%add3A_215] : memref<320000xi32, #tpu.memory_space<hbm>> -> memref<80xi32, #tpu.memory_space<hbm>>
    tpu.enqueue_dma source(%dma_start3A_223 : memref<80xi32, #tpu.memory_space<hbm>>) target(%dma_start3A_222 : memref<80xi32, #tpu.memory_space<vmem>>) target_semaphore(%arg11 : memref<!tpu.dma_semaphore, #tpu.memory_space<semaphore_mem>>)
    %dma_start3A_224 = arith.constant 0 : i32
    %dma_start3A_225 = tpu.memref_slice %arg8[%rem3A_213, %dma_start3A_224] : memref<16x80xi32, #tpu.memory_space<vmem>> -> memref<1x80xi32, #tpu.memory_space<vmem>>
    %dma_start3A_226 = tpu.memref_squeeze %dma_start3A_225 : memref<1x80xi32, #tpu.memory_space<vmem>> -> memref<80xi32, #tpu.memory_space<vmem>>
    %dma_start3A_227 = tpu.memref_slice %arg4[%add3A_215] : memref<320000xi32, #tpu.memory_space<hbm>> -> memref<80xi32, #tpu.memory_space<hbm>>
    %dma_start3A_228 = arith.constant 0 : i32
    %dma_start3A_229 = tpu.memref_slice %arg8[%rem3A_213, %dma_start3A_228] : memref<16x80xi32, #tpu.memory_space<vmem>> -> memref<1x80xi32, #tpu.memory_space<vmem>>
    %dma_start3A_230 = tpu.memref_squeeze %dma_start3A_229 : memref<1x80xi32, #tpu.memory_space<vmem>> -> memref<80xi32, #tpu.memory_space<vmem>>
    %dma_start3A_231 = tpu.memref_slice %arg4[%add3A_215] : memref<320000xi32, #tpu.memory_space<hbm>> -> memref<80xi32, #tpu.memory_space<hbm>>
    tpu.enqueue_dma source(%dma_start3A_231 : memref<80xi32, #tpu.memory_space<hbm>>) target(%dma_start3A_230 : memref<80xi32, #tpu.memory_space<vmem>>) target_semaphore(%arg11 : memref<!tpu.dma_semaphore, #tpu.memory_space<semaphore_mem>>)
    %rem3A_232 = arith.constant 11 : i32
    %rem3A_233 = arith.constant 16 : i32
    %rem3A_234 = arith.remsi %rem3A_232, %rem3A_233 : i32
    %add3A_235 = arith.constant 880 : i32
    %add3A_236 = arith.addi %mul3A_2, %add3A_235 : i32
    %dma_start3A_237 = arith.constant 0 : i32
    %dma_start3A_238 = tpu.memref_slice %arg7[%rem3A_234, %dma_start3A_237] : memref<16x80xi32, #tpu.memory_space<vmem>> -> memref<1x80xi32, #tpu.memory_space<vmem>>
    %dma_start3A_239 = tpu.memref_squeeze %dma_start3A_238 : memref<1x80xi32, #tpu.memory_space<vmem>> -> memref<80xi32, #tpu.memory_space<vmem>>
    %dma_start3A_240 = tpu.memref_slice %arg3[%add3A_236] : memref<320000xi32, #tpu.memory_space<hbm>> -> memref<80xi32, #tpu.memory_space<hbm>>
    %dma_start3A_241 = arith.constant 0 : i32
    %dma_start3A_242 = tpu.memref_slice %arg7[%rem3A_234, %dma_start3A_241] : memref<16x80xi32, #tpu.memory_space<vmem>> -> memref<1x80xi32, #tpu.memory_space<vmem>>
    %dma_start3A_243 = tpu.memref_squeeze %dma_start3A_242 : memref<1x80xi32, #tpu.memory_space<vmem>> -> memref<80xi32, #tpu.memory_space<vmem>>
    %dma_start3A_244 = tpu.memref_slice %arg3[%add3A_236] : memref<320000xi32, #tpu.memory_space<hbm>> -> memref<80xi32, #tpu.memory_space<hbm>>
    tpu.enqueue_dma source(%dma_start3A_244 : memref<80xi32, #tpu.memory_space<hbm>>) target(%dma_start3A_243 : memref<80xi32, #tpu.memory_space<vmem>>) target_semaphore(%arg11 : memref<!tpu.dma_semaphore, #tpu.memory_space<semaphore_mem>>)
    %dma_start3A_245 = arith.constant 0 : i32
    %dma_start3A_246 = tpu.memref_slice %arg8[%rem3A_234, %dma_start3A_245] : memref<16x80xi32, #tpu.memory_space<vmem>> -> memref<1x80xi32, #tpu.memory_space<vmem>>
    %dma_start3A_247 = tpu.memref_squeeze %dma_start3A_246 : memref<1x80xi32, #tpu.memory_space<vmem>> -> memref<80xi32, #tpu.memory_space<vmem>>
    %dma_start3A_248 = tpu.memref_slice %arg4[%add3A_236] : memref<320000xi32, #tpu.memory_space<hbm>> -> memref<80xi32, #tpu.memory_space<hbm>>
    %dma_start3A_249 = arith.constant 0 : i32
    %dma_start3A_250 = tpu.memref_slice %arg8[%rem3A_234, %dma_start3A_249] : memref<16x80xi32, #tpu.memory_space<vmem>> -> memref<1x80xi32, #tpu.memory_space<vmem>>
    %dma_start3A_251 = tpu.memref_squeeze %dma_start3A_250 : memref<1x80xi32, #tpu.memory_space<vmem>> -> memref<80xi32, #tpu.memory_space<vmem>>
    %dma_start3A_252 = tpu.memref_slice %arg4[%add3A_236] : memref<320000xi32, #tpu.memory_space<hbm>> -> memref<80xi32, #tpu.memory_space<hbm>>
    tpu.enqueue_dma source(%dma_start3A_252 : memref<80xi32, #tpu.memory_space<hbm>>) target(%dma_start3A_251 : memref<80xi32, #tpu.memory_space<vmem>>) target_semaphore(%arg11 : memref<!tpu.dma_semaphore, #tpu.memory_space<semaphore_mem>>)
    %rem3A_253 = arith.constant 12 : i32
    %rem3A_254 = arith.constant 16 : i32
    %rem3A_255 = arith.remsi %rem3A_253, %rem3A_254 : i32
    %add3A_256 = arith.constant 960 : i32
    %add3A_257 = arith.addi %mul3A_2, %add3A_256 : i32
    %dma_start3A_258 = arith.constant 0 : i32
    %dma_start3A_259 = tpu.memref_slice %arg7[%rem3A_255, %dma_start3A_258] : memref<16x80xi32, #tpu.memory_space<vmem>> -> memref<1x80xi32, #tpu.memory_space<vmem>>
    %dma_start3A_260 = tpu.memref_squeeze %dma_start3A_259 : memref<1x80xi32, #tpu.memory_space<vmem>> -> memref<80xi32, #tpu.memory_space<vmem>>
    %dma_start3A_261 = tpu.memref_slice %arg3[%add3A_257] : memref<320000xi32, #tpu.memory_space<hbm>> -> memref<80xi32, #tpu.memory_space<hbm>>
    %dma_start3A_262 = arith.constant 0 : i32
    %dma_start3A_263 = tpu.memref_slice %arg7[%rem3A_255, %dma_start3A_262] : memref<16x80xi32, #tpu.memory_space<vmem>> -> memref<1x80xi32, #tpu.memory_space<vmem>>
    %dma_start3A_264 = tpu.memref_squeeze %dma_start3A_263 : memref<1x80xi32, #tpu.memory_space<vmem>> -> memref<80xi32, #tpu.memory_space<vmem>>
    %dma_start3A_265 = tpu.memref_slice %arg3[%add3A_257] : memref<320000xi32, #tpu.memory_space<hbm>> -> memref<80xi32, #tpu.memory_space<hbm>>
    tpu.enqueue_dma source(%dma_start3A_265 : memref<80xi32, #tpu.memory_space<hbm>>) target(%dma_start3A_264 : memref<80xi32, #tpu.memory_space<vmem>>) target_semaphore(%arg11 : memref<!tpu.dma_semaphore, #tpu.memory_space<semaphore_mem>>)
    %dma_start3A_266 = arith.constant 0 : i32
    %dma_start3A_267 = tpu.memref_slice %arg8[%rem3A_255, %dma_start3A_266] : memref<16x80xi32, #tpu.memory_space<vmem>> -> memref<1x80xi32, #tpu.memory_space<vmem>>
    %dma_start3A_268 = tpu.memref_squeeze %dma_start3A_267 : memref<1x80xi32, #tpu.memory_space<vmem>> -> memref<80xi32, #tpu.memory_space<vmem>>
    %dma_start3A_269 = tpu.memref_slice %arg4[%add3A_257] : memref<320000xi32, #tpu.memory_space<hbm>> -> memref<80xi32, #tpu.memory_space<hbm>>
    %dma_start3A_270 = arith.constant 0 : i32
    %dma_start3A_271 = tpu.memref_slice %arg8[%rem3A_255, %dma_start3A_270] : memref<16x80xi32, #tpu.memory_space<vmem>> -> memref<1x80xi32, #tpu.memory_space<vmem>>
    %dma_start3A_272 = tpu.memref_squeeze %dma_start3A_271 : memref<1x80xi32, #tpu.memory_space<vmem>> -> memref<80xi32, #tpu.memory_space<vmem>>
    %dma_start3A_273 = tpu.memref_slice %arg4[%add3A_257] : memref<320000xi32, #tpu.memory_space<hbm>> -> memref<80xi32, #tpu.memory_space<hbm>>
    tpu.enqueue_dma source(%dma_start3A_273 : memref<80xi32, #tpu.memory_space<hbm>>) target(%dma_start3A_272 : memref<80xi32, #tpu.memory_space<vmem>>) target_semaphore(%arg11 : memref<!tpu.dma_semaphore, #tpu.memory_space<semaphore_mem>>)
    %rem3A_274 = arith.constant 13 : i32
    %rem3A_275 = arith.constant 16 : i32
    %rem3A_276 = arith.remsi %rem3A_274, %rem3A_275 : i32
    %add3A_277 = arith.constant 1040 : i32
    %add3A_278 = arith.addi %mul3A_2, %add3A_277 : i32
    %dma_start3A_279 = arith.constant 0 : i32
    %dma_start3A_280 = tpu.memref_slice %arg7[%rem3A_276, %dma_start3A_279] : memref<16x80xi32, #tpu.memory_space<vmem>> -> memref<1x80xi32, #tpu.memory_space<vmem>>
    %dma_start3A_281 = tpu.memref_squeeze %dma_start3A_280 : memref<1x80xi32, #tpu.memory_space<vmem>> -> memref<80xi32, #tpu.memory_space<vmem>>
    %dma_start3A_282 = tpu.memref_slice %arg3[%add3A_278] : memref<320000xi32, #tpu.memory_space<hbm>> -> memref<80xi32, #tpu.memory_space<hbm>>
    %dma_start3A_283 = arith.constant 0 : i32
    %dma_start3A_284 = tpu.memref_slice %arg7[%rem3A_276, %dma_start3A_283] : memref<16x80xi32, #tpu.memory_space<vmem>> -> memref<1x80xi32, #tpu.memory_space<vmem>>
    %dma_start3A_285 = tpu.memref_squeeze %dma_start3A_284 : memref<1x80xi32, #tpu.memory_space<vmem>> -> memref<80xi32, #tpu.memory_space<vmem>>
    %dma_start3A_286 = tpu.memref_slice %arg3[%add3A_278] : memref<320000xi32, #tpu.memory_space<hbm>> -> memref<80xi32, #tpu.memory_space<hbm>>
    tpu.enqueue_dma source(%dma_start3A_286 : memref<80xi32, #tpu.memory_space<hbm>>) target(%dma_start3A_285 : memref<80xi32, #tpu.memory_space<vmem>>) target_semaphore(%arg11 : memref<!tpu.dma_semaphore, #tpu.memory_space<semaphore_mem>>)
    %dma_start3A_287 = arith.constant 0 : i32
    %dma_start3A_288 = tpu.memref_slice %arg8[%rem3A_276, %dma_start3A_287] : memref<16x80xi32, #tpu.memory_space<vmem>> -> memref<1x80xi32, #tpu.memory_space<vmem>>
    %dma_start3A_289 = tpu.memref_squeeze %dma_start3A_288 : memref<1x80xi32, #tpu.memory_space<vmem>> -> memref<80xi32, #tpu.memory_space<vmem>>
    %dma_start3A_290 = tpu.memref_slice %arg4[%add3A_278] : memref<320000xi32, #tpu.memory_space<hbm>> -> memref<80xi32, #tpu.memory_space<hbm>>
    %dma_start3A_291 = arith.constant 0 : i32
    %dma_start3A_292 = tpu.memref_slice %arg8[%rem3A_276, %dma_start3A_291] : memref<16x80xi32, #tpu.memory_space<vmem>> -> memref<1x80xi32, #tpu.memory_space<vmem>>
    %dma_start3A_293 = tpu.memref_squeeze %dma_start3A_292 : memref<1x80xi32, #tpu.memory_space<vmem>> -> memref<80xi32, #tpu.memory_space<vmem>>
    %dma_start3A_294 = tpu.memref_slice %arg4[%add3A_278] : memref<320000xi32, #tpu.memory_space<hbm>> -> memref<80xi32, #tpu.memory_space<hbm>>
    tpu.enqueue_dma source(%dma_start3A_294 : memref<80xi32, #tpu.memory_space<hbm>>) target(%dma_start3A_293 : memref<80xi32, #tpu.memory_space<vmem>>) target_semaphore(%arg11 : memref<!tpu.dma_semaphore, #tpu.memory_space<semaphore_mem>>)
    %rem3A_295 = arith.constant 14 : i32
    %rem3A_296 = arith.constant 16 : i32
    %rem3A_297 = arith.remsi %rem3A_295, %rem3A_296 : i32
    %add3A_298 = arith.constant 1120 : i32
    %add3A_299 = arith.addi %mul3A_2, %add3A_298 : i32
    %dma_start3A_300 = arith.constant 0 : i32
    %dma_start3A_301 = tpu.memref_slice %arg7[%rem3A_297, %dma_start3A_300] : memref<16x80xi32, #tpu.memory_space<vmem>> -> memref<1x80xi32, #tpu.memory_space<vmem>>
    %dma_start3A_302 = tpu.memref_squeeze %dma_start3A_301 : memref<1x80xi32, #tpu.memory_space<vmem>> -> memref<80xi32, #tpu.memory_space<vmem>>
    %dma_start3A_303 = tpu.memref_slice %arg3[%add3A_299] : memref<320000xi32, #tpu.memory_space<hbm>> -> memref<80xi32, #tpu.memory_space<hbm>>
    %dma_start3A_304 = arith.constant 0 : i32
    %dma_start3A_305 = tpu.memref_slice %arg7[%rem3A_297, %dma_start3A_304] : memref<16x80xi32, #tpu.memory_space<vmem>> -> memref<1x80xi32, #tpu.memory_space<vmem>>
    %dma_start3A_306 = tpu.memref_squeeze %dma_start3A_305 : memref<1x80xi32, #tpu.memory_space<vmem>> -> memref<80xi32, #tpu.memory_space<vmem>>
    %dma_start3A_307 = tpu.memref_slice %arg3[%add3A_299] : memref<320000xi32, #tpu.memory_space<hbm>> -> memref<80xi32, #tpu.memory_space<hbm>>
    tpu.enqueue_dma source(%dma_start3A_307 : memref<80xi32, #tpu.memory_space<hbm>>) target(%dma_start3A_306 : memref<80xi32, #tpu.memory_space<vmem>>) target_semaphore(%arg11 : memref<!tpu.dma_semaphore, #tpu.memory_space<semaphore_mem>>)
    %dma_start3A_308 = arith.constant 0 : i32
    %dma_start3A_309 = tpu.memref_slice %arg8[%rem3A_297, %dma_start3A_308] : memref<16x80xi32, #tpu.memory_space<vmem>> -> memref<1x80xi32, #tpu.memory_space<vmem>>
    %dma_start3A_310 = tpu.memref_squeeze %dma_start3A_309 : memref<1x80xi32, #tpu.memory_space<vmem>> -> memref<80xi32, #tpu.memory_space<vmem>>
    %dma_start3A_311 = tpu.memref_slice %arg4[%add3A_299] : memref<320000xi32, #tpu.memory_space<hbm>> -> memref<80xi32, #tpu.memory_space<hbm>>
    %dma_start3A_312 = arith.constant 0 : i32
    %dma_start3A_313 = tpu.memref_slice %arg8[%rem3A_297, %dma_start3A_312] : memref<16x80xi32, #tpu.memory_space<vmem>> -> memref<1x80xi32, #tpu.memory_space<vmem>>
    %dma_start3A_314 = tpu.memref_squeeze %dma_start3A_313 : memref<1x80xi32, #tpu.memory_space<vmem>> -> memref<80xi32, #tpu.memory_space<vmem>>
    %dma_start3A_315 = tpu.memref_slice %arg4[%add3A_299] : memref<320000xi32, #tpu.memory_space<hbm>> -> memref<80xi32, #tpu.memory_space<hbm>>
    tpu.enqueue_dma source(%dma_start3A_315 : memref<80xi32, #tpu.memory_space<hbm>>) target(%dma_start3A_314 : memref<80xi32, #tpu.memory_space<vmem>>) target_semaphore(%arg11 : memref<!tpu.dma_semaphore, #tpu.memory_space<semaphore_mem>>)
    %rem3A_316 = arith.constant 15 : i32
    %rem3A_317 = arith.constant 16 : i32
    %rem3A_318 = arith.remsi %rem3A_316, %rem3A_317 : i32
    %add3A_319 = arith.constant 1200 : i32
    %add3A_320 = arith.addi %mul3A_2, %add3A_319 : i32
    %dma_start3A_321 = arith.constant 0 : i32
    %dma_start3A_322 = tpu.memref_slice %arg7[%rem3A_318, %dma_start3A_321] : memref<16x80xi32, #tpu.memory_space<vmem>> -> memref<1x80xi32, #tpu.memory_space<vmem>>
    %dma_start3A_323 = tpu.memref_squeeze %dma_start3A_322 : memref<1x80xi32, #tpu.memory_space<vmem>> -> memref<80xi32, #tpu.memory_space<vmem>>
    %dma_start3A_324 = tpu.memref_slice %arg3[%add3A_320] : memref<320000xi32, #tpu.memory_space<hbm>> -> memref<80xi32, #tpu.memory_space<hbm>>
    %dma_start3A_325 = arith.constant 0 : i32
    %dma_start3A_326 = tpu.memref_slice %arg7[%rem3A_318, %dma_start3A_325] : memref<16x80xi32, #tpu.memory_space<vmem>> -> memref<1x80xi32, #tpu.memory_space<vmem>>
    %dma_start3A_327 = tpu.memref_squeeze %dma_start3A_326 : memref<1x80xi32, #tpu.memory_space<vmem>> -> memref<80xi32, #tpu.memory_space<vmem>>
    %dma_start3A_328 = tpu.memref_slice %arg3[%add3A_320] : memref<320000xi32, #tpu.memory_space<hbm>> -> memref<80xi32, #tpu.memory_space<hbm>>
    tpu.enqueue_dma source(%dma_start3A_328 : memref<80xi32, #tpu.memory_space<hbm>>) target(%dma_start3A_327 : memref<80xi32, #tpu.memory_space<vmem>>) target_semaphore(%arg11 : memref<!tpu.dma_semaphore, #tpu.memory_space<semaphore_mem>>)
    %dma_start3A_329 = arith.constant 0 : i32
    %dma_start3A_330 = tpu.memref_slice %arg8[%rem3A_318, %dma_start3A_329] : memref<16x80xi32, #tpu.memory_space<vmem>> -> memref<1x80xi32, #tpu.memory_space<vmem>>
    %dma_start3A_331 = tpu.memref_squeeze %dma_start3A_330 : memref<1x80xi32, #tpu.memory_space<vmem>> -> memref<80xi32, #tpu.memory_space<vmem>>
    %dma_start3A_332 = tpu.memref_slice %arg4[%add3A_320] : memref<320000xi32, #tpu.memory_space<hbm>> -> memref<80xi32, #tpu.memory_space<hbm>>
    %dma_start3A_333 = arith.constant 0 : i32
    %dma_start3A_334 = tpu.memref_slice %arg8[%rem3A_318, %dma_start3A_333] : memref<16x80xi32, #tpu.memory_space<vmem>> -> memref<1x80xi32, #tpu.memory_space<vmem>>
    %dma_start3A_335 = tpu.memref_squeeze %dma_start3A_334 : memref<1x80xi32, #tpu.memory_space<vmem>> -> memref<80xi32, #tpu.memory_space<vmem>>
    %dma_start3A_336 = tpu.memref_slice %arg4[%add3A_320] : memref<320000xi32, #tpu.memory_space<hbm>> -> memref<80xi32, #tpu.memory_space<hbm>>
    tpu.enqueue_dma source(%dma_start3A_336 : memref<80xi32, #tpu.memory_space<hbm>>) target(%dma_start3A_335 : memref<80xi32, #tpu.memory_space<vmem>>) target_semaphore(%arg11 : memref<!tpu.dma_semaphore, #tpu.memory_space<semaphore_mem>>)
    %broadcast_in_dim3A = arith.constant 0.000000e+00 : f32
    %broadcast_in_dim3A_337 = vector.broadcast %broadcast_in_dim3A : f32 to vector<16xf32>
    %scan3A = arith.constant 0 : i32
    %scan3A_338 = arith.constant 0 : i32
    %scan3A_339 = arith.constant 80 : i32
    %scan3A_340 = arith.addi %scan3A_338, %scan3A_339 : i32
    %scan3A_341 = arith.constant 1 : i32
    scf.for %scan3A_535 = %scan3A_338 to %scan3A_340 step %scan3A_341  : i32 {
      %swap3A = arith.constant 0 : i32
      %swap3A_536 = arith.index_cast %swap3A : i32 to index
      %swap3A_537 = arith.index_cast %scan3A_535 : i32 to index
      %swap3A_538 = arith.constant 0 : index
      %swap3A_539 = tpu.vector_load %arg9[%swap3A_536, %swap3A_537, %swap3A_538] {strides = array<i32>} : memref<4x80x128xf32, #tpu.memory_space<vmem>>, vector<1x1x16xf32>,
      %swap3A_540 = vector.shape_cast %swap3A_539 : vector<1x1x16xf32> to vector<16xf32>
      %swap3A_541 = vector.shape_cast %broadcast_in_dim3A_337 : vector<16xf32> to vector<1x1x16xf32>
      tpu.vector_store %arg9[%swap3A_536, %swap3A_537, %swap3A_538], %swap3A_541 {strides = array<i32>} : memref<4x80x128xf32, #tpu.memory_space<vmem>>, vector<1x1x16xf32>,
      %swap3A_542 = arith.constant 0 : i32
      %swap3A_543 = arith.index_cast %swap3A_542 : i32 to index
      %swap3A_544 = arith.index_cast %scan3A_535 : i32 to index
      %swap3A_545 = arith.constant 16 : index
      %swap3A_546 = tpu.vector_load %arg9[%swap3A_543, %swap3A_544, %swap3A_545] {strides = array<i32>} : memref<4x80x128xf32, #tpu.memory_space<vmem>>, vector<1x1x16xf32>,
      %swap3A_547 = vector.shape_cast %swap3A_546 : vector<1x1x16xf32> to vector<16xf32>
      %swap3A_548 = vector.shape_cast %broadcast_in_dim3A_337 : vector<16xf32> to vector<1x1x16xf32>
      tpu.vector_store %arg9[%swap3A_543, %swap3A_544, %swap3A_545], %swap3A_548 {strides = array<i32>} : memref<4x80x128xf32, #tpu.memory_space<vmem>>, vector<1x1x16xf32>,
      %swap3A_549 = arith.constant 0 : i32
      %swap3A_550 = arith.index_cast %swap3A_549 : i32 to index
      %swap3A_551 = arith.index_cast %scan3A_535 : i32 to index
      %swap3A_552 = arith.constant 32 : index
      %swap3A_553 = tpu.vector_load %arg9[%swap3A_550, %swap3A_551, %swap3A_552] {strides = array<i32>} : memref<4x80x128xf32, #tpu.memory_space<vmem>>, vector<1x1x16xf32>,
      %swap3A_554 = vector.shape_cast %swap3A_553 : vector<1x1x16xf32> to vector<16xf32>
      %swap3A_555 = vector.shape_cast %broadcast_in_dim3A_337 : vector<16xf32> to vector<1x1x16xf32>
      tpu.vector_store %arg9[%swap3A_550, %swap3A_551, %swap3A_552], %swap3A_555 {strides = array<i32>} : memref<4x80x128xf32, #tpu.memory_space<vmem>>, vector<1x1x16xf32>,
      %swap3A_556 = arith.constant 0 : i32
      %swap3A_557 = arith.index_cast %swap3A_556 : i32 to index
      %swap3A_558 = arith.index_cast %scan3A_535 : i32 to index
      %swap3A_559 = arith.constant 48 : index
      %swap3A_560 = tpu.vector_load %arg9[%swap3A_557, %swap3A_558, %swap3A_559] {strides = array<i32>} : memref<4x80x128xf32, #tpu.memory_space<vmem>>, vector<1x1x16xf32>,
      %swap3A_561 = vector.shape_cast %swap3A_560 : vector<1x1x16xf32> to vector<16xf32>
      %swap3A_562 = vector.shape_cast %broadcast_in_dim3A_337 : vector<16xf32> to vector<1x1x16xf32>
      tpu.vector_store %arg9[%swap3A_557, %swap3A_558, %swap3A_559], %swap3A_562 {strides = array<i32>} : memref<4x80x128xf32, #tpu.memory_space<vmem>>, vector<1x1x16xf32>,
      %swap3A_563 = arith.constant 0 : i32
      %swap3A_564 = arith.index_cast %swap3A_563 : i32 to index
      %swap3A_565 = arith.index_cast %scan3A_535 : i32 to index
      %swap3A_566 = arith.constant 64 : index
      %swap3A_567 = tpu.vector_load %arg9[%swap3A_564, %swap3A_565, %swap3A_566] {strides = array<i32>} : memref<4x80x128xf32, #tpu.memory_space<vmem>>, vector<1x1x16xf32>,
      %swap3A_568 = vector.shape_cast %swap3A_567 : vector<1x1x16xf32> to vector<16xf32>
      %swap3A_569 = vector.shape_cast %broadcast_in_dim3A_337 : vector<16xf32> to vector<1x1x16xf32>
      tpu.vector_store %arg9[%swap3A_564, %swap3A_565, %swap3A_566], %swap3A_569 {strides = array<i32>} : memref<4x80x128xf32, #tpu.memory_space<vmem>>, vector<1x1x16xf32>,
      %swap3A_570 = arith.constant 0 : i32
      %swap3A_571 = arith.index_cast %swap3A_570 : i32 to index
      %swap3A_572 = arith.index_cast %scan3A_535 : i32 to index
      %swap3A_573 = arith.constant 80 : index
      %swap3A_574 = tpu.vector_load %arg9[%swap3A_571, %swap3A_572, %swap3A_573] {strides = array<i32>} : memref<4x80x128xf32, #tpu.memory_space<vmem>>, vector<1x1x16xf32>,
      %swap3A_575 = vector.shape_cast %swap3A_574 : vector<1x1x16xf32> to vector<16xf32>
      %swap3A_576 = vector.shape_cast %broadcast_in_dim3A_337 : vector<16xf32> to vector<1x1x16xf32>
      tpu.vector_store %arg9[%swap3A_571, %swap3A_572, %swap3A_573], %swap3A_576 {strides = array<i32>} : memref<4x80x128xf32, #tpu.memory_space<vmem>>, vector<1x1x16xf32>,
      %swap3A_577 = arith.constant 0 : i32
      %swap3A_578 = arith.index_cast %swap3A_577 : i32 to index
      %swap3A_579 = arith.index_cast %scan3A_535 : i32 to index
      %swap3A_580 = arith.constant 96 : index
      %swap3A_581 = tpu.vector_load %arg9[%swap3A_578, %swap3A_579, %swap3A_580] {strides = array<i32>} : memref<4x80x128xf32, #tpu.memory_space<vmem>>, vector<1x1x16xf32>,
      %swap3A_582 = vector.shape_cast %swap3A_581 : vector<1x1x16xf32> to vector<16xf32>
      %swap3A_583 = vector.shape_cast %broadcast_in_dim3A_337 : vector<16xf32> to vector<1x1x16xf32>
      tpu.vector_store %arg9[%swap3A_578, %swap3A_579, %swap3A_580], %swap3A_583 {strides = array<i32>} : memref<4x80x128xf32, #tpu.memory_space<vmem>>, vector<1x1x16xf32>,
      %swap3A_584 = arith.constant 0 : i32
      %swap3A_585 = arith.index_cast %swap3A_584 : i32 to index
      %swap3A_586 = arith.index_cast %scan3A_535 : i32 to index
      %swap3A_587 = arith.constant 112 : index
      %swap3A_588 = tpu.vector_load %arg9[%swap3A_585, %swap3A_586, %swap3A_587] {strides = array<i32>} : memref<4x80x128xf32, #tpu.memory_space<vmem>>, vector<1x1x16xf32>,
      %swap3A_589 = vector.shape_cast %swap3A_588 : vector<1x1x16xf32> to vector<16xf32>
      %swap3A_590 = vector.shape_cast %broadcast_in_dim3A_337 : vector<16xf32> to vector<1x1x16xf32>
      tpu.vector_store %arg9[%swap3A_585, %swap3A_586, %swap3A_587], %swap3A_590 {strides = array<i32>} : memref<4x80x128xf32, #tpu.memory_space<vmem>>, vector<1x1x16xf32>,
    }
    %scan3A_342 = arith.constant 80 : i32
    %mul3A_343 = arith.constant 640 : i32
    %mul3A_344 = arith.muli %arg1, %mul3A_343 : i32
    %add3A_345 = arith.constant 0 : i32
    %add3A_346 = arith.addi %mul3A_344, %add3A_345 : i32
    %run_scoped3A = arith.constant 0 : i32
    "tpu.region"() ({
      %run_scoped3A_535 = tpu.sem_alloc : memref<!tpu.dma_semaphore, #tpu.memory_space<semaphore_mem>>
      %dma_start3A_536 = arith.constant 0 : i32
      %dma_start3A_537 = arith.constant 0 : i32
      %dma_start3A_538 = tpu.memref_slice %arg9[%run_scoped3A, %dma_start3A_536, %dma_start3A_537] : memref<4x80x128xf32, #tpu.memory_space<vmem>> -> memref<1x80x128xf32, #tpu.memory_space<vmem>>
      %dma_start3A_539 = tpu.memref_squeeze %dma_start3A_538 : memref<1x80x128xf32, #tpu.memory_space<vmem>> -> memref<80x128xf32, #tpu.memory_space<vmem>>
      %dma_start3A_540 = arith.constant 0 : i32
      %dma_start3A_541 = tpu.memref_slice %arg10[%add3A_346, %dma_start3A_540] : memref<10240x128xf32, #tpu.memory_space<vmem_shared>> -> memref<80x128xf32, #tpu.memory_space<vmem_shared>>
      %dma_start3A_542 = arith.constant 0 : i32
      %dma_start3A_543 = tpu.memref_slice %arg10[%add3A_346, %dma_start3A_542] : memref<10240x128xf32, #tpu.memory_space<vmem_shared>> -> memref<80x128xf32, #tpu.memory_space<vmem_shared>>
      %dma_start3A_544 = arith.constant 0 : i32
      %dma_start3A_545 = arith.constant 0 : i32
      %dma_start3A_546 = tpu.memref_slice %arg9[%run_scoped3A, %dma_start3A_544, %dma_start3A_545] : memref<4x80x128xf32, #tpu.memory_space<vmem>> -> memref<1x80x128xf32, #tpu.memory_space<vmem>>
      %dma_start3A_547 = tpu.memref_squeeze %dma_start3A_546 : memref<1x80x128xf32, #tpu.memory_space<vmem>> -> memref<80x128xf32, #tpu.memory_space<vmem>>
      tpu.enqueue_dma source(%dma_start3A_547 : memref<80x128xf32, #tpu.memory_space<vmem>>) target(%dma_start3A_543 : memref<80x128xf32, #tpu.memory_space<vmem_shared>>) target_semaphore(%run_scoped3A_535 : memref<!tpu.dma_semaphore, #tpu.memory_space<semaphore_mem>>)
      %dma_wait3A_548 = arith.constant 0 : i32
      %dma_wait3A_549 = arith.constant 0 : i32
      %dma_wait3A_550 = tpu.memref_slice %arg9[%run_scoped3A, %dma_wait3A_548, %dma_wait3A_549] : memref<4x80x128xf32, #tpu.memory_space<vmem>> -> memref<1x80x128xf32, #tpu.memory_space<vmem>>
      %dma_wait3A_551 = tpu.memref_squeeze %dma_wait3A_550 : memref<1x80x128xf32, #tpu.memory_space<vmem>> -> memref<80x128xf32, #tpu.memory_space<vmem>>
      %dma_wait3A_552 = arith.constant 0 : i32
      %dma_wait3A_553 = tpu.memref_slice %arg10[%add3A_346, %dma_wait3A_552] : memref<10240x128xf32, #tpu.memory_space<vmem_shared>> -> memref<80x128xf32, #tpu.memory_space<vmem_shared>>
      %dma_wait3A_554 = arith.constant 0 : i32
      %dma_wait3A_555 = tpu.memref_slice %arg10[%add3A_346, %dma_wait3A_554] : memref<10240x128xf32, #tpu.memory_space<vmem_shared>> -> memref<80x128xf32, #tpu.memory_space<vmem_shared>>
      %dma_wait3A_556 = arith.constant 0 : i32
      %dma_wait3A_557 = arith.constant 0 : i32
      %dma_wait3A_558 = tpu.memref_slice %arg9[%run_scoped3A, %dma_wait3A_556, %dma_wait3A_557] : memref<4x80x128xf32, #tpu.memory_space<vmem>> -> memref<1x80x128xf32, #tpu.memory_space<vmem>>
      %dma_wait3A_559 = tpu.memref_squeeze %dma_wait3A_558 : memref<1x80x128xf32, #tpu.memory_space<vmem>> -> memref<80x128xf32, #tpu.memory_space<vmem>>
      tpu.wait_dma2 semaphore(%run_scoped3A_535 : memref<!tpu.dma_semaphore, #tpu.memory_space<semaphore_mem>>) src(%dma_wait3A_559 : memref<80x128xf32, #tpu.memory_space<vmem>>) dst(%dma_wait3A_555 : memref<80x128xf32, #tpu.memory_space<vmem_shared>>)
      tpu.yield
    }) : () -> ()
    %mul3A_347 = arith.constant 640 : i32
    %mul3A_348 = arith.muli %arg1, %mul3A_347 : i32
    %add3A_349 = arith.constant 80 : i32
    %add3A_350 = arith.addi %mul3A_348, %add3A_349 : i32
    %run_scoped3A_351 = arith.constant 0 : i32
    "tpu.region"() ({
      %run_scoped3A_535 = tpu.sem_alloc : memref<!tpu.dma_semaphore, #tpu.memory_space<semaphore_mem>>
      %dma_start3A_536 = arith.constant 0 : i32
      %dma_start3A_537 = arith.constant 0 : i32
      %dma_start3A_538 = tpu.memref_slice %arg9[%run_scoped3A_351, %dma_start3A_536, %dma_start3A_537] : memref<4x80x128xf32, #tpu.memory_space<vmem>> -> memref<1x80x128xf32, #tpu.memory_space<vmem>>
      %dma_start3A_539 = tpu.memref_squeeze %dma_start3A_538 : memref<1x80x128xf32, #tpu.memory_space<vmem>> -> memref<80x128xf32, #tpu.memory_space<vmem>>
      %dma_start3A_540 = arith.constant 0 : i32
      %dma_start3A_541 = tpu.memref_slice %arg10[%add3A_350, %dma_start3A_540] : memref<10240x128xf32, #tpu.memory_space<vmem_shared>> -> memref<80x128xf32, #tpu.memory_space<vmem_shared>>
      %dma_start3A_542 = arith.constant 0 : i32
      %dma_start3A_543 = tpu.memref_slice %arg10[%add3A_350, %dma_start3A_542] : memref<10240x128xf32, #tpu.memory_space<vmem_shared>> -> memref<80x128xf32, #tpu.memory_space<vmem_shared>>
      %dma_start3A_544 = arith.constant 0 : i32
      %dma_start3A_545 = arith.constant 0 : i32
      %dma_start3A_546 = tpu.memref_slice %arg9[%run_scoped3A_351, %dma_start3A_544, %dma_start3A_545] : memref<4x80x128xf32, #tpu.memory_space<vmem>> -> memref<1x80x128xf32, #tpu.memory_space<vmem>>
      %dma_start3A_547 = tpu.memref_squeeze %dma_start3A_546 : memref<1x80x128xf32, #tpu.memory_space<vmem>> -> memref<80x128xf32, #tpu.memory_space<vmem>>
      tpu.enqueue_dma source(%dma_start3A_547 : memref<80x128xf32, #tpu.memory_space<vmem>>) target(%dma_start3A_543 : memref<80x128xf32, #tpu.memory_space<vmem_shared>>) target_semaphore(%run_scoped3A_535 : memref<!tpu.dma_semaphore, #tpu.memory_space<semaphore_mem>>)
      %dma_wait3A_548 = arith.constant 0 : i32
      %dma_wait3A_549 = arith.constant 0 : i32
      %dma_wait3A_550 = tpu.memref_slice %arg9[%run_scoped3A_351, %dma_wait3A_548, %dma_wait3A_549] : memref<4x80x128xf32, #tpu.memory_space<vmem>> -> memref<1x80x128xf32, #tpu.memory_space<vmem>>
      %dma_wait3A_551 = tpu.memref_squeeze %dma_wait3A_550 : memref<1x80x128xf32, #tpu.memory_space<vmem>> -> memref<80x128xf32, #tpu.memory_space<vmem>>
      %dma_wait3A_552 = arith.constant 0 : i32
      %dma_wait3A_553 = tpu.memref_slice %arg10[%add3A_350, %dma_wait3A_552] : memref<10240x128xf32, #tpu.memory_space<vmem_shared>> -> memref<80x128xf32, #tpu.memory_space<vmem_shared>>
      %dma_wait3A_554 = arith.constant 0 : i32
      %dma_wait3A_555 = tpu.memref_slice %arg10[%add3A_350, %dma_wait3A_554] : memref<10240x128xf32, #tpu.memory_space<vmem_shared>> -> memref<80x128xf32, #tpu.memory_space<vmem_shared>>
      %dma_wait3A_556 = arith.constant 0 : i32
      %dma_wait3A_557 = arith.constant 0 : i32
      %dma_wait3A_558 = tpu.memref_slice %arg9[%run_scoped3A_351, %dma_wait3A_556, %dma_wait3A_557] : memref<4x80x128xf32, #tpu.memory_space<vmem>> -> memref<1x80x128xf32, #tpu.memory_space<vmem>>
      %dma_wait3A_559 = tpu.memref_squeeze %dma_wait3A_558 : memref<1x80x128xf32, #tpu.memory_space<vmem>> -> memref<80x128xf32, #tpu.memory_space<vmem>>
      tpu.wait_dma2 semaphore(%run_scoped3A_535 : memref<!tpu.dma_semaphore, #tpu.memory_space<semaphore_mem>>) src(%dma_wait3A_559 : memref<80x128xf32, #tpu.memory_space<vmem>>) dst(%dma_wait3A_555 : memref<80x128xf32, #tpu.memory_space<vmem_shared>>)
      tpu.yield
    }) : () -> ()
    %mul3A_352 = arith.constant 640 : i32
    %mul3A_353 = arith.muli %arg1, %mul3A_352 : i32
    %add3A_354 = arith.constant 160 : i32
    %add3A_355 = arith.addi %mul3A_353, %add3A_354 : i32
    %run_scoped3A_356 = arith.constant 0 : i32
    "tpu.region"() ({
      %run_scoped3A_535 = tpu.sem_alloc : memref<!tpu.dma_semaphore, #tpu.memory_space<semaphore_mem>>
      %dma_start3A_536 = arith.constant 0 : i32
      %dma_start3A_537 = arith.constant 0 : i32
      %dma_start3A_538 = tpu.memref_slice %arg9[%run_scoped3A_356, %dma_start3A_536, %dma_start3A_537] : memref<4x80x128xf32, #tpu.memory_space<vmem>> -> memref<1x80x128xf32, #tpu.memory_space<vmem>>
      %dma_start3A_539 = tpu.memref_squeeze %dma_start3A_538 : memref<1x80x128xf32, #tpu.memory_space<vmem>> -> memref<80x128xf32, #tpu.memory_space<vmem>>
      %dma_start3A_540 = arith.constant 0 : i32
      %dma_start3A_541 = tpu.memref_slice %arg10[%add3A_355, %dma_start3A_540] : memref<10240x128xf32, #tpu.memory_space<vmem_shared>> -> memref<80x128xf32, #tpu.memory_space<vmem_shared>>
      %dma_start3A_542 = arith.constant 0 : i32
      %dma_start3A_543 = tpu.memref_slice %arg10[%add3A_355, %dma_start3A_542] : memref<10240x128xf32, #tpu.memory_space<vmem_shared>> -> memref<80x128xf32, #tpu.memory_space<vmem_shared>>
      %dma_start3A_544 = arith.constant 0 : i32
      %dma_start3A_545 = arith.constant 0 : i32
      %dma_start3A_546 = tpu.memref_slice %arg9[%run_scoped3A_356, %dma_start3A_544, %dma_start3A_545] : memref<4x80x128xf32, #tpu.memory_space<vmem>> -> memref<1x80x128xf32, #tpu.memory_space<vmem>>
      %dma_start3A_547 = tpu.memref_squeeze %dma_start3A_546 : memref<1x80x128xf32, #tpu.memory_space<vmem>> -> memref<80x128xf32, #tpu.memory_space<vmem>>
      tpu.enqueue_dma source(%dma_start3A_547 : memref<80x128xf32, #tpu.memory_space<vmem>>) target(%dma_start3A_543 : memref<80x128xf32, #tpu.memory_space<vmem_shared>>) target_semaphore(%run_scoped3A_535 : memref<!tpu.dma_semaphore, #tpu.memory_space<semaphore_mem>>)
      %dma_wait3A_548 = arith.constant 0 : i32
      %dma_wait3A_549 = arith.constant 0 : i32
      %dma_wait3A_550 = tpu.memref_slice %arg9[%run_scoped3A_356, %dma_wait3A_548, %dma_wait3A_549] : memref<4x80x128xf32, #tpu.memory_space<vmem>> -> memref<1x80x128xf32, #tpu.memory_space<vmem>>
      %dma_wait3A_551 = tpu.memref_squeeze %dma_wait3A_550 : memref<1x80x128xf32, #tpu.memory_space<vmem>> -> memref<80x128xf32, #tpu.memory_space<vmem>>
      %dma_wait3A_552 = arith.constant 0 : i32
      %dma_wait3A_553 = tpu.memref_slice %arg10[%add3A_355, %dma_wait3A_552] : memref<10240x128xf32, #tpu.memory_space<vmem_shared>> -> memref<80x128xf32, #tpu.memory_space<vmem_shared>>
      %dma_wait3A_554 = arith.constant 0 : i32
      %dma_wait3A_555 = tpu.memref_slice %arg10[%add3A_355, %dma_wait3A_554] : memref<10240x128xf32, #tpu.memory_space<vmem_shared>> -> memref<80x128xf32, #tpu.memory_space<vmem_shared>>
      %dma_wait3A_556 = arith.constant 0 : i32
      %dma_wait3A_557 = arith.constant 0 : i32
      %dma_wait3A_558 = tpu.memref_slice %arg9[%run_scoped3A_356, %dma_wait3A_556, %dma_wait3A_557] : memref<4x80x128xf32, #tpu.memory_space<vmem>> -> memref<1x80x128xf32, #tpu.memory_space<vmem>>
      %dma_wait3A_559 = tpu.memref_squeeze %dma_wait3A_558 : memref<1x80x128xf32, #tpu.memory_space<vmem>> -> memref<80x128xf32, #tpu.memory_space<vmem>>
      tpu.wait_dma2 semaphore(%run_scoped3A_535 : memref<!tpu.dma_semaphore, #tpu.memory_space<semaphore_mem>>) src(%dma_wait3A_559 : memref<80x128xf32, #tpu.memory_space<vmem>>) dst(%dma_wait3A_555 : memref<80x128xf32, #tpu.memory_space<vmem_shared>>)
      tpu.yield
    }) : () -> ()
    %mul3A_357 = arith.constant 640 : i32
    %mul3A_358 = arith.muli %arg1, %mul3A_357 : i32
    %add3A_359 = arith.constant 240 : i32
    %add3A_360 = arith.addi %mul3A_358, %add3A_359 : i32
    %run_scoped3A_361 = arith.constant 0 : i32
    "tpu.region"() ({
      %run_scoped3A_535 = tpu.sem_alloc : memref<!tpu.dma_semaphore, #tpu.memory_space<semaphore_mem>>
      %dma_start3A_536 = arith.constant 0 : i32
      %dma_start3A_537 = arith.constant 0 : i32
      %dma_start3A_538 = tpu.memref_slice %arg9[%run_scoped3A_361, %dma_start3A_536, %dma_start3A_537] : memref<4x80x128xf32, #tpu.memory_space<vmem>> -> memref<1x80x128xf32, #tpu.memory_space<vmem>>
      %dma_start3A_539 = tpu.memref_squeeze %dma_start3A_538 : memref<1x80x128xf32, #tpu.memory_space<vmem>> -> memref<80x128xf32, #tpu.memory_space<vmem>>
      %dma_start3A_540 = arith.constant 0 : i32
      %dma_start3A_541 = tpu.memref_slice %arg10[%add3A_360, %dma_start3A_540] : memref<10240x128xf32, #tpu.memory_space<vmem_shared>> -> memref<80x128xf32, #tpu.memory_space<vmem_shared>>
      %dma_start3A_542 = arith.constant 0 : i32
      %dma_start3A_543 = tpu.memref_slice %arg10[%add3A_360, %dma_start3A_542] : memref<10240x128xf32, #tpu.memory_space<vmem_shared>> -> memref<80x128xf32, #tpu.memory_space<vmem_shared>>
      %dma_start3A_544 = arith.constant 0 : i32
      %dma_start3A_545 = arith.constant 0 : i32
      %dma_start3A_546 = tpu.memref_slice %arg9[%run_scoped3A_361, %dma_start3A_544, %dma_start3A_545] : memref<4x80x128xf32, #tpu.memory_space<vmem>> -> memref<1x80x128xf32, #tpu.memory_space<vmem>>
      %dma_start3A_547 = tpu.memref_squeeze %dma_start3A_546 : memref<1x80x128xf32, #tpu.memory_space<vmem>> -> memref<80x128xf32, #tpu.memory_space<vmem>>
      tpu.enqueue_dma source(%dma_start3A_547 : memref<80x128xf32, #tpu.memory_space<vmem>>) target(%dma_start3A_543 : memref<80x128xf32, #tpu.memory_space<vmem_shared>>) target_semaphore(%run_scoped3A_535 : memref<!tpu.dma_semaphore, #tpu.memory_space<semaphore_mem>>)
      %dma_wait3A_548 = arith.constant 0 : i32
      %dma_wait3A_549 = arith.constant 0 : i32
      %dma_wait3A_550 = tpu.memref_slice %arg9[%run_scoped3A_361, %dma_wait3A_548, %dma_wait3A_549] : memref<4x80x128xf32, #tpu.memory_space<vmem>> -> memref<1x80x128xf32, #tpu.memory_space<vmem>>
      %dma_wait3A_551 = tpu.memref_squeeze %dma_wait3A_550 : memref<1x80x128xf32, #tpu.memory_space<vmem>> -> memref<80x128xf32, #tpu.memory_space<vmem>>
      %dma_wait3A_552 = arith.constant 0 : i32
      %dma_wait3A_553 = tpu.memref_slice %arg10[%add3A_360, %dma_wait3A_552] : memref<10240x128xf32, #tpu.memory_space<vmem_shared>> -> memref<80x128xf32, #tpu.memory_space<vmem_shared>>
      %dma_wait3A_554 = arith.constant 0 : i32
      %dma_wait3A_555 = tpu.memref_slice %arg10[%add3A_360, %dma_wait3A_554] : memref<10240x128xf32, #tpu.memory_space<vmem_shared>> -> memref<80x128xf32, #tpu.memory_space<vmem_shared>>
      %dma_wait3A_556 = arith.constant 0 : i32
      %dma_wait3A_557 = arith.constant 0 : i32
      %dma_wait3A_558 = tpu.memref_slice %arg9[%run_scoped3A_361, %dma_wait3A_556, %dma_wait3A_557] : memref<4x80x128xf32, #tpu.memory_space<vmem>> -> memref<1x80x128xf32, #tpu.memory_space<vmem>>
      %dma_wait3A_559 = tpu.memref_squeeze %dma_wait3A_558 : memref<1x80x128xf32, #tpu.memory_space<vmem>> -> memref<80x128xf32, #tpu.memory_space<vmem>>
      tpu.wait_dma2 semaphore(%run_scoped3A_535 : memref<!tpu.dma_semaphore, #tpu.memory_space<semaphore_mem>>) src(%dma_wait3A_559 : memref<80x128xf32, #tpu.memory_space<vmem>>) dst(%dma_wait3A_555 : memref<80x128xf32, #tpu.memory_space<vmem_shared>>)
      tpu.yield
    }) : () -> ()
    %mul3A_362 = arith.constant 640 : i32
    %mul3A_363 = arith.muli %arg1, %mul3A_362 : i32
    %add3A_364 = arith.constant 320 : i32
    %add3A_365 = arith.addi %mul3A_363, %add3A_364 : i32
    %run_scoped3A_366 = arith.constant 0 : i32
    "tpu.region"() ({
      %run_scoped3A_535 = tpu.sem_alloc : memref<!tpu.dma_semaphore, #tpu.memory_space<semaphore_mem>>
      %dma_start3A_536 = arith.constant 0 : i32
      %dma_start3A_537 = arith.constant 0 : i32
      %dma_start3A_538 = tpu.memref_slice %arg9[%run_scoped3A_366, %dma_start3A_536, %dma_start3A_537] : memref<4x80x128xf32, #tpu.memory_space<vmem>> -> memref<1x80x128xf32, #tpu.memory_space<vmem>>
      %dma_start3A_539 = tpu.memref_squeeze %dma_start3A_538 : memref<1x80x128xf32, #tpu.memory_space<vmem>> -> memref<80x128xf32, #tpu.memory_space<vmem>>
      %dma_start3A_540 = arith.constant 0 : i32
      %dma_start3A_541 = tpu.memref_slice %arg10[%add3A_365, %dma_start3A_540] : memref<10240x128xf32, #tpu.memory_space<vmem_shared>> -> memref<80x128xf32, #tpu.memory_space<vmem_shared>>
      %dma_start3A_542 = arith.constant 0 : i32
      %dma_start3A_543 = tpu.memref_slice %arg10[%add3A_365, %dma_start3A_542] : memref<10240x128xf32, #tpu.memory_space<vmem_shared>> -> memref<80x128xf32, #tpu.memory_space<vmem_shared>>
      %dma_start3A_544 = arith.constant 0 : i32
      %dma_start3A_545 = arith.constant 0 : i32
      %dma_start3A_546 = tpu.memref_slice %arg9[%run_scoped3A_366, %dma_start3A_544, %dma_start3A_545] : memref<4x80x128xf32, #tpu.memory_space<vmem>> -> memref<1x80x128xf32, #tpu.memory_space<vmem>>
      %dma_start3A_547 = tpu.memref_squeeze %dma_start3A_546 : memref<1x80x128xf32, #tpu.memory_space<vmem>> -> memref<80x128xf32, #tpu.memory_space<vmem>>
      tpu.enqueue_dma source(%dma_start3A_547 : memref<80x128xf32, #tpu.memory_space<vmem>>) target(%dma_start3A_543 : memref<80x128xf32, #tpu.memory_space<vmem_shared>>) target_semaphore(%run_scoped3A_535 : memref<!tpu.dma_semaphore, #tpu.memory_space<semaphore_mem>>)
      %dma_wait3A_548 = arith.constant 0 : i32
      %dma_wait3A_549 = arith.constant 0 : i32
      %dma_wait3A_550 = tpu.memref_slice %arg9[%run_scoped3A_366, %dma_wait3A_548, %dma_wait3A_549] : memref<4x80x128xf32, #tpu.memory_space<vmem>> -> memref<1x80x128xf32, #tpu.memory_space<vmem>>
      %dma_wait3A_551 = tpu.memref_squeeze %dma_wait3A_550 : memref<1x80x128xf32, #tpu.memory_space<vmem>> -> memref<80x128xf32, #tpu.memory_space<vmem>>
      %dma_wait3A_552 = arith.constant 0 : i32
      %dma_wait3A_553 = tpu.memref_slice %arg10[%add3A_365, %dma_wait3A_552] : memref<10240x128xf32, #tpu.memory_space<vmem_shared>> -> memref<80x128xf32, #tpu.memory_space<vmem_shared>>
      %dma_wait3A_554 = arith.constant 0 : i32
      %dma_wait3A_555 = tpu.memref_slice %arg10[%add3A_365, %dma_wait3A_554] : memref<10240x128xf32, #tpu.memory_space<vmem_shared>> -> memref<80x128xf32, #tpu.memory_space<vmem_shared>>
      %dma_wait3A_556 = arith.constant 0 : i32
      %dma_wait3A_557 = arith.constant 0 : i32
      %dma_wait3A_558 = tpu.memref_slice %arg9[%run_scoped3A_366, %dma_wait3A_556, %dma_wait3A_557] : memref<4x80x128xf32, #tpu.memory_space<vmem>> -> memref<1x80x128xf32, #tpu.memory_space<vmem>>
      %dma_wait3A_559 = tpu.memref_squeeze %dma_wait3A_558 : memref<1x80x128xf32, #tpu.memory_space<vmem>> -> memref<80x128xf32, #tpu.memory_space<vmem>>
      tpu.wait_dma2 semaphore(%run_scoped3A_535 : memref<!tpu.dma_semaphore, #tpu.memory_space<semaphore_mem>>) src(%dma_wait3A_559 : memref<80x128xf32, #tpu.memory_space<vmem>>) dst(%dma_wait3A_555 : memref<80x128xf32, #tpu.memory_space<vmem_shared>>)
      tpu.yield
    }) : () -> ()
    %mul3A_367 = arith.constant 640 : i32
    %mul3A_368 = arith.muli %arg1, %mul3A_367 : i32
    %add3A_369 = arith.constant 400 : i32
    %add3A_370 = arith.addi %mul3A_368, %add3A_369 : i32
    %run_scoped3A_371 = arith.constant 0 : i32
    "tpu.region"() ({
      %run_scoped3A_535 = tpu.sem_alloc : memref<!tpu.dma_semaphore, #tpu.memory_space<semaphore_mem>>
      %dma_start3A_536 = arith.constant 0 : i32
      %dma_start3A_537 = arith.constant 0 : i32
      %dma_start3A_538 = tpu.memref_slice %arg9[%run_scoped3A_371, %dma_start3A_536, %dma_start3A_537] : memref<4x80x128xf32, #tpu.memory_space<vmem>> -> memref<1x80x128xf32, #tpu.memory_space<vmem>>
      %dma_start3A_539 = tpu.memref_squeeze %dma_start3A_538 : memref<1x80x128xf32, #tpu.memory_space<vmem>> -> memref<80x128xf32, #tpu.memory_space<vmem>>
      %dma_start3A_540 = arith.constant 0 : i32
      %dma_start3A_541 = tpu.memref_slice %arg10[%add3A_370, %dma_start3A_540] : memref<10240x128xf32, #tpu.memory_space<vmem_shared>> -> memref<80x128xf32, #tpu.memory_space<vmem_shared>>
      %dma_start3A_542 = arith.constant 0 : i32
      %dma_start3A_543 = tpu.memref_slice %arg10[%add3A_370, %dma_start3A_542] : memref<10240x128xf32, #tpu.memory_space<vmem_shared>> -> memref<80x128xf32, #tpu.memory_space<vmem_shared>>
      %dma_start3A_544 = arith.constant 0 : i32
      %dma_start3A_545 = arith.constant 0 : i32
      %dma_start3A_546 = tpu.memref_slice %arg9[%run_scoped3A_371, %dma_start3A_544, %dma_start3A_545] : memref<4x80x128xf32, #tpu.memory_space<vmem>> -> memref<1x80x128xf32, #tpu.memory_space<vmem>>
      %dma_start3A_547 = tpu.memref_squeeze %dma_start3A_546 : memref<1x80x128xf32, #tpu.memory_space<vmem>> -> memref<80x128xf32, #tpu.memory_space<vmem>>
      tpu.enqueue_dma source(%dma_start3A_547 : memref<80x128xf32, #tpu.memory_space<vmem>>) target(%dma_start3A_543 : memref<80x128xf32, #tpu.memory_space<vmem_shared>>) target_semaphore(%run_scoped3A_535 : memref<!tpu.dma_semaphore, #tpu.memory_space<semaphore_mem>>)
      %dma_wait3A_548 = arith.constant 0 : i32
      %dma_wait3A_549 = arith.constant 0 : i32
      %dma_wait3A_550 = tpu.memref_slice %arg9[%run_scoped3A_371, %dma_wait3A_548, %dma_wait3A_549] : memref<4x80x128xf32, #tpu.memory_space<vmem>> -> memref<1x80x128xf32, #tpu.memory_space<vmem>>
      %dma_wait3A_551 = tpu.memref_squeeze %dma_wait3A_550 : memref<1x80x128xf32, #tpu.memory_space<vmem>> -> memref<80x128xf32, #tpu.memory_space<vmem>>
      %dma_wait3A_552 = arith.constant 0 : i32
      %dma_wait3A_553 = tpu.memref_slice %arg10[%add3A_370, %dma_wait3A_552] : memref<10240x128xf32, #tpu.memory_space<vmem_shared>> -> memref<80x128xf32, #tpu.memory_space<vmem_shared>>
      %dma_wait3A_554 = arith.constant 0 : i32
      %dma_wait3A_555 = tpu.memref_slice %arg10[%add3A_370, %dma_wait3A_554] : memref<10240x128xf32, #tpu.memory_space<vmem_shared>> -> memref<80x128xf32, #tpu.memory_space<vmem_shared>>
      %dma_wait3A_556 = arith.constant 0 : i32
      %dma_wait3A_557 = arith.constant 0 : i32
      %dma_wait3A_558 = tpu.memref_slice %arg9[%run_scoped3A_371, %dma_wait3A_556, %dma_wait3A_557] : memref<4x80x128xf32, #tpu.memory_space<vmem>> -> memref<1x80x128xf32, #tpu.memory_space<vmem>>
      %dma_wait3A_559 = tpu.memref_squeeze %dma_wait3A_558 : memref<1x80x128xf32, #tpu.memory_space<vmem>> -> memref<80x128xf32, #tpu.memory_space<vmem>>
      tpu.wait_dma2 semaphore(%run_scoped3A_535 : memref<!tpu.dma_semaphore, #tpu.memory_space<semaphore_mem>>) src(%dma_wait3A_559 : memref<80x128xf32, #tpu.memory_space<vmem>>) dst(%dma_wait3A_555 : memref<80x128xf32, #tpu.memory_space<vmem_shared>>)
      tpu.yield
    }) : () -> ()
    %mul3A_372 = arith.constant 640 : i32
    %mul3A_373 = arith.muli %arg1, %mul3A_372 : i32
    %add3A_374 = arith.constant 480 : i32
    %add3A_375 = arith.addi %mul3A_373, %add3A_374 : i32
    %run_scoped3A_376 = arith.constant 0 : i32
    "tpu.region"() ({
      %run_scoped3A_535 = tpu.sem_alloc : memref<!tpu.dma_semaphore, #tpu.memory_space<semaphore_mem>>
      %dma_start3A_536 = arith.constant 0 : i32
      %dma_start3A_537 = arith.constant 0 : i32
      %dma_start3A_538 = tpu.memref_slice %arg9[%run_scoped3A_376, %dma_start3A_536, %dma_start3A_537] : memref<4x80x128xf32, #tpu.memory_space<vmem>> -> memref<1x80x128xf32, #tpu.memory_space<vmem>>
      %dma_start3A_539 = tpu.memref_squeeze %dma_start3A_538 : memref<1x80x128xf32, #tpu.memory_space<vmem>> -> memref<80x128xf32, #tpu.memory_space<vmem>>
      %dma_start3A_540 = arith.constant 0 : i32
      %dma_start3A_541 = tpu.memref_slice %arg10[%add3A_375, %dma_start3A_540] : memref<10240x128xf32, #tpu.memory_space<vmem_shared>> -> memref<80x128xf32, #tpu.memory_space<vmem_shared>>
      %dma_start3A_542 = arith.constant 0 : i32
      %dma_start3A_543 = tpu.memref_slice %arg10[%add3A_375, %dma_start3A_542] : memref<10240x128xf32, #tpu.memory_space<vmem_shared>> -> memref<80x128xf32, #tpu.memory_space<vmem_shared>>
      %dma_start3A_544 = arith.constant 0 : i32
      %dma_start3A_545 = arith.constant 0 : i32
      %dma_start3A_546 = tpu.memref_slice %arg9[%run_scoped3A_376, %dma_start3A_544, %dma_start3A_545] : memref<4x80x128xf32, #tpu.memory_space<vmem>> -> memref<1x80x128xf32, #tpu.memory_space<vmem>>
      %dma_start3A_547 = tpu.memref_squeeze %dma_start3A_546 : memref<1x80x128xf32, #tpu.memory_space<vmem>> -> memref<80x128xf32, #tpu.memory_space<vmem>>
      tpu.enqueue_dma source(%dma_start3A_547 : memref<80x128xf32, #tpu.memory_space<vmem>>) target(%dma_start3A_543 : memref<80x128xf32, #tpu.memory_space<vmem_shared>>) target_semaphore(%run_scoped3A_535 : memref<!tpu.dma_semaphore, #tpu.memory_space<semaphore_mem>>)
      %dma_wait3A_548 = arith.constant 0 : i32
      %dma_wait3A_549 = arith.constant 0 : i32
      %dma_wait3A_550 = tpu.memref_slice %arg9[%run_scoped3A_376, %dma_wait3A_548, %dma_wait3A_549] : memref<4x80x128xf32, #tpu.memory_space<vmem>> -> memref<1x80x128xf32, #tpu.memory_space<vmem>>
      %dma_wait3A_551 = tpu.memref_squeeze %dma_wait3A_550 : memref<1x80x128xf32, #tpu.memory_space<vmem>> -> memref<80x128xf32, #tpu.memory_space<vmem>>
      %dma_wait3A_552 = arith.constant 0 : i32
      %dma_wait3A_553 = tpu.memref_slice %arg10[%add3A_375, %dma_wait3A_552] : memref<10240x128xf32, #tpu.memory_space<vmem_shared>> -> memref<80x128xf32, #tpu.memory_space<vmem_shared>>
      %dma_wait3A_554 = arith.constant 0 : i32
      %dma_wait3A_555 = tpu.memref_slice %arg10[%add3A_375, %dma_wait3A_554] : memref<10240x128xf32, #tpu.memory_space<vmem_shared>> -> memref<80x128xf32, #tpu.memory_space<vmem_shared>>
      %dma_wait3A_556 = arith.constant 0 : i32
      %dma_wait3A_557 = arith.constant 0 : i32
      %dma_wait3A_558 = tpu.memref_slice %arg9[%run_scoped3A_376, %dma_wait3A_556, %dma_wait3A_557] : memref<4x80x128xf32, #tpu.memory_space<vmem>> -> memref<1x80x128xf32, #tpu.memory_space<vmem>>
      %dma_wait3A_559 = tpu.memref_squeeze %dma_wait3A_558 : memref<1x80x128xf32, #tpu.memory_space<vmem>> -> memref<80x128xf32, #tpu.memory_space<vmem>>
      tpu.wait_dma2 semaphore(%run_scoped3A_535 : memref<!tpu.dma_semaphore, #tpu.memory_space<semaphore_mem>>) src(%dma_wait3A_559 : memref<80x128xf32, #tpu.memory_space<vmem>>) dst(%dma_wait3A_555 : memref<80x128xf32, #tpu.memory_space<vmem_shared>>)
      tpu.yield
    }) : () -> ()
    %mul3A_377 = arith.constant 640 : i32
    %mul3A_378 = arith.muli %arg1, %mul3A_377 : i32
    %add3A_379 = arith.constant 560 : i32
    %add3A_380 = arith.addi %mul3A_378, %add3A_379 : i32
    %run_scoped3A_381 = arith.constant 0 : i32
    "tpu.region"() ({
      %run_scoped3A_535 = tpu.sem_alloc : memref<!tpu.dma_semaphore, #tpu.memory_space<semaphore_mem>>
      %dma_start3A_536 = arith.constant 0 : i32
      %dma_start3A_537 = arith.constant 0 : i32
      %dma_start3A_538 = tpu.memref_slice %arg9[%run_scoped3A_381, %dma_start3A_536, %dma_start3A_537] : memref<4x80x128xf32, #tpu.memory_space<vmem>> -> memref<1x80x128xf32, #tpu.memory_space<vmem>>
      %dma_start3A_539 = tpu.memref_squeeze %dma_start3A_538 : memref<1x80x128xf32, #tpu.memory_space<vmem>> -> memref<80x128xf32, #tpu.memory_space<vmem>>
      %dma_start3A_540 = arith.constant 0 : i32
      %dma_start3A_541 = tpu.memref_slice %arg10[%add3A_380, %dma_start3A_540] : memref<10240x128xf32, #tpu.memory_space<vmem_shared>> -> memref<80x128xf32, #tpu.memory_space<vmem_shared>>
      %dma_start3A_542 = arith.constant 0 : i32
      %dma_start3A_543 = tpu.memref_slice %arg10[%add3A_380, %dma_start3A_542] : memref<10240x128xf32, #tpu.memory_space<vmem_shared>> -> memref<80x128xf32, #tpu.memory_space<vmem_shared>>
      %dma_start3A_544 = arith.constant 0 : i32
      %dma_start3A_545 = arith.constant 0 : i32
      %dma_start3A_546 = tpu.memref_slice %arg9[%run_scoped3A_381, %dma_start3A_544, %dma_start3A_545] : memref<4x80x128xf32, #tpu.memory_space<vmem>> -> memref<1x80x128xf32, #tpu.memory_space<vmem>>
      %dma_start3A_547 = tpu.memref_squeeze %dma_start3A_546 : memref<1x80x128xf32, #tpu.memory_space<vmem>> -> memref<80x128xf32, #tpu.memory_space<vmem>>
      tpu.enqueue_dma source(%dma_start3A_547 : memref<80x128xf32, #tpu.memory_space<vmem>>) target(%dma_start3A_543 : memref<80x128xf32, #tpu.memory_space<vmem_shared>>) target_semaphore(%run_scoped3A_535 : memref<!tpu.dma_semaphore, #tpu.memory_space<semaphore_mem>>)
      %dma_wait3A_548 = arith.constant 0 : i32
      %dma_wait3A_549 = arith.constant 0 : i32
      %dma_wait3A_550 = tpu.memref_slice %arg9[%run_scoped3A_381, %dma_wait3A_548, %dma_wait3A_549] : memref<4x80x128xf32, #tpu.memory_space<vmem>> -> memref<1x80x128xf32, #tpu.memory_space<vmem>>
      %dma_wait3A_551 = tpu.memref_squeeze %dma_wait3A_550 : memref<1x80x128xf32, #tpu.memory_space<vmem>> -> memref<80x128xf32, #tpu.memory_space<vmem>>
      %dma_wait3A_552 = arith.constant 0 : i32
      %dma_wait3A_553 = tpu.memref_slice %arg10[%add3A_380, %dma_wait3A_552] : memref<10240x128xf32, #tpu.memory_space<vmem_shared>> -> memref<80x128xf32, #tpu.memory_space<vmem_shared>>
      %dma_wait3A_554 = arith.constant 0 : i32
      %dma_wait3A_555 = tpu.memref_slice %arg10[%add3A_380, %dma_wait3A_554] : memref<10240x128xf32, #tpu.memory_space<vmem_shared>> -> memref<80x128xf32, #tpu.memory_space<vmem_shared>>
      %dma_wait3A_556 = arith.constant 0 : i32
      %dma_wait3A_557 = arith.constant 0 : i32
      %dma_wait3A_558 = tpu.memref_slice %arg9[%run_scoped3A_381, %dma_wait3A_556, %dma_wait3A_557] : memref<4x80x128xf32, #tpu.memory_space<vmem>> -> memref<1x80x128xf32, #tpu.memory_space<vmem>>
      %dma_wait3A_559 = tpu.memref_squeeze %dma_wait3A_558 : memref<1x80x128xf32, #tpu.memory_space<vmem>> -> memref<80x128xf32, #tpu.memory_space<vmem>>
      tpu.wait_dma2 semaphore(%run_scoped3A_535 : memref<!tpu.dma_semaphore, #tpu.memory_space<semaphore_mem>>) src(%dma_wait3A_559 : memref<80x128xf32, #tpu.memory_space<vmem>>) dst(%dma_wait3A_555 : memref<80x128xf32, #tpu.memory_space<vmem_shared>>)
      tpu.yield
    }) : () -> ()
    %barrier3A = arith.constant 0 : index
    tpu.barrier barrier_id(%barrier3A)
    %rem3A_382 = arith.constant 0 : i32
    %rem3A_383 = arith.constant 16 : i32
    %rem3A_384 = arith.remsi %rem3A_382, %rem3A_383 : i32
    %dma_wait3A = arith.constant 0 : i32
    %dma_wait3A_385 = tpu.memref_slice %arg7[%rem3A_384, %dma_wait3A] : memref<16x80xi32, #tpu.memory_space<vmem>> -> memref<1x80xi32, #tpu.memory_space<vmem>>
    %dma_wait3A_386 = tpu.memref_squeeze %dma_wait3A_385 : memref<1x80xi32, #tpu.memory_space<vmem>> -> memref<80xi32, #tpu.memory_space<vmem>>
    %dma_wait3A_387 = tpu.memref_slice %arg3[%mul3A_2] : memref<320000xi32, #tpu.memory_space<hbm>> -> memref<80xi32, #tpu.memory_space<hbm>>
    %dma_wait3A_388 = arith.constant 0 : i32
    %dma_wait3A_389 = tpu.memref_slice %arg7[%rem3A_384, %dma_wait3A_388] : memref<16x80xi32, #tpu.memory_space<vmem>> -> memref<1x80xi32, #tpu.memory_space<vmem>>
    %dma_wait3A_390 = tpu.memref_squeeze %dma_wait3A_389 : memref<1x80xi32, #tpu.memory_space<vmem>> -> memref<80xi32, #tpu.memory_space<vmem>>
    %dma_wait3A_391 = tpu.memref_slice %arg3[%mul3A_2] : memref<320000xi32, #tpu.memory_space<hbm>> -> memref<80xi32, #tpu.memory_space<hbm>>
    tpu.wait_dma2 semaphore(%arg11 : memref<!tpu.dma_semaphore, #tpu.memory_space<semaphore_mem>>) src(%dma_wait3A_391 : memref<80xi32, #tpu.memory_space<hbm>>) dst(%dma_wait3A_390 : memref<80xi32, #tpu.memory_space<vmem>>)
    %dma_wait3A_392 = arith.constant 0 : i32
    %dma_wait3A_393 = tpu.memref_slice %arg8[%rem3A_384, %dma_wait3A_392] : memref<16x80xi32, #tpu.memory_space<vmem>> -> memref<1x80xi32, #tpu.memory_space<vmem>>
    %dma_wait3A_394 = tpu.memref_squeeze %dma_wait3A_393 : memref<1x80xi32, #tpu.memory_space<vmem>> -> memref<80xi32, #tpu.memory_space<vmem>>
    %dma_wait3A_395 = tpu.memref_slice %arg4[%mul3A_2] : memref<320000xi32, #tpu.memory_space<hbm>> -> memref<80xi32, #tpu.memory_space<hbm>>
    %dma_wait3A_396 = arith.constant 0 : i32
    %dma_wait3A_397 = tpu.memref_slice %arg8[%rem3A_384, %dma_wait3A_396] : memref<16x80xi32, #tpu.memory_space<vmem>> -> memref<1x80xi32, #tpu.memory_space<vmem>>
    %dma_wait3A_398 = tpu.memref_squeeze %dma_wait3A_397 : memref<1x80xi32, #tpu.memory_space<vmem>> -> memref<80xi32, #tpu.memory_space<vmem>>
    %dma_wait3A_399 = tpu.memref_slice %arg4[%mul3A_2] : memref<320000xi32, #tpu.memory_space<hbm>> -> memref<80xi32, #tpu.memory_space<hbm>>
    tpu.wait_dma2 semaphore(%arg11 : memref<!tpu.dma_semaphore, #tpu.memory_space<semaphore_mem>>) src(%dma_wait3A_399 : memref<80xi32, #tpu.memory_space<hbm>>) dst(%dma_wait3A_398 : memref<80xi32, #tpu.memory_space<vmem>>)
    %rem3A_400 = arith.constant 0 : i32
    %rem3A_401 = arith.constant 16 : i32
    %rem3A_402 = arith.remsi %rem3A_400, %rem3A_401 : i32
    %rem3A_403 = arith.constant 0 : i32
    %rem3A_404 = arith.constant 4 : i32
    %rem3A_405 = arith.remsi %rem3A_403, %rem3A_404 : i32
    %dma_start3A_406 = arith.constant 0 : i32
    %dma_start3A_407 = arith.constant 0 : i32
    %dma_start3A_408 = tpu.memref_slice %arg9[%rem3A_405, %dma_start3A_406, %dma_start3A_407] : memref<4x80x128xf32, #tpu.memory_space<vmem>> -> memref<1x80x128xf32, #tpu.memory_space<vmem>>
    %dma_start3A_409 = tpu.memref_squeeze %dma_start3A_408 : memref<1x80x128xf32, #tpu.memory_space<vmem>> -> memref<80x128xf32, #tpu.memory_space<vmem>>
    %dma_start3A_410 = arith.constant 0 : i32
    %dma_start3A_411 = tpu.memref_slice %arg7[%rem3A_402, %dma_start3A_410] : memref<16x80xi32, #tpu.memory_space<vmem>> -> memref<1x80xi32, #tpu.memory_space<vmem>>
    %dma_start3A_412 = tpu.memref_squeeze %dma_start3A_411 : memref<1x80xi32, #tpu.memory_space<vmem>> -> memref<80xi32, #tpu.memory_space<vmem>>
    %dma_start3A_413 = arith.constant 0 : i32
    %dma_start3A_414 = arith.constant 0 : i32
    %dma_start3A_415 = tpu.memref_slice %arg2[%dma_start3A_413, %dma_start3A_414] : memref<10000x128xf32, #tpu.memory_space<hbm>> -> memref<10000x128xf32, #tpu.memory_space<hbm>>
    tpu.enqueue_indirect_dma source(%dma_start3A_415 : memref<10000x128xf32, #tpu.memory_space<hbm>>) target(%dma_start3A_409 : memref<80x128xf32, #tpu.memory_space<vmem>>) offsets(%dma_start3A_412 : memref<80xi32, #tpu.memory_space<vmem>>) semaphore(%arg12 : memref<!tpu.dma_semaphore, #tpu.memory_space<semaphore_mem>>)
    %rem3A_416 = arith.constant 1 : i32
    %rem3A_417 = arith.constant 16 : i32
    %rem3A_418 = arith.remsi %rem3A_416, %rem3A_417 : i32
    %dma_wait3A_419 = arith.constant 0 : i32
    %dma_wait3A_420 = tpu.memref_slice %arg7[%rem3A_418, %dma_wait3A_419] : memref<16x80xi32, #tpu.memory_space<vmem>> -> memref<1x80xi32, #tpu.memory_space<vmem>>
    %dma_wait3A_421 = tpu.memref_squeeze %dma_wait3A_420 : memref<1x80xi32, #tpu.memory_space<vmem>> -> memref<80xi32, #tpu.memory_space<vmem>>
    %dma_wait3A_422 = tpu.memref_slice %arg3[%mul3A_2] : memref<320000xi32, #tpu.memory_space<hbm>> -> memref<80xi32, #tpu.memory_space<hbm>>
    %dma_wait3A_423 = arith.constant 0 : i32
    %dma_wait3A_424 = tpu.memref_slice %arg7[%rem3A_418, %dma_wait3A_423] : memref<16x80xi32, #tpu.memory_space<vmem>> -> memref<1x80xi32, #tpu.memory_space<vmem>>
    %dma_wait3A_425 = tpu.memref_squeeze %dma_wait3A_424 : memref<1x80xi32, #tpu.memory_space<vmem>> -> memref<80xi32, #tpu.memory_space<vmem>>
    %dma_wait3A_426 = tpu.memref_slice %arg3[%mul3A_2] : memref<320000xi32, #tpu.memory_space<hbm>> -> memref<80xi32, #tpu.memory_space<hbm>>
    tpu.wait_dma2 semaphore(%arg11 : memref<!tpu.dma_semaphore, #tpu.memory_space<semaphore_mem>>) src(%dma_wait3A_426 : memref<80xi32, #tpu.memory_space<hbm>>) dst(%dma_wait3A_425 : memref<80xi32, #tpu.memory_space<vmem>>)
    %dma_wait3A_427 = arith.constant 0 : i32
    %dma_wait3A_428 = tpu.memref_slice %arg8[%rem3A_418, %dma_wait3A_427] : memref<16x80xi32, #tpu.memory_space<vmem>> -> memref<1x80xi32, #tpu.memory_space<vmem>>
    %dma_wait3A_429 = tpu.memref_squeeze %dma_wait3A_428 : memref<1x80xi32, #tpu.memory_space<vmem>> -> memref<80xi32, #tpu.memory_space<vmem>>
    %dma_wait3A_430 = tpu.memref_slice %arg4[%mul3A_2] : memref<320000xi32, #tpu.memory_space<hbm>> -> memref<80xi32, #tpu.memory_space<hbm>>
    %dma_wait3A_431 = arith.constant 0 : i32
    %dma_wait3A_432 = tpu.memref_slice %arg8[%rem3A_418, %dma_wait3A_431] : memref<16x80xi32, #tpu.memory_space<vmem>> -> memref<1x80xi32, #tpu.memory_space<vmem>>
    %dma_wait3A_433 = tpu.memref_squeeze %dma_wait3A_432 : memref<1x80xi32, #tpu.memory_space<vmem>> -> memref<80xi32, #tpu.memory_space<vmem>>
    %dma_wait3A_434 = tpu.memref_slice %arg4[%mul3A_2] : memref<320000xi32, #tpu.memory_space<hbm>> -> memref<80xi32, #tpu.memory_space<hbm>>
    tpu.wait_dma2 semaphore(%arg11 : memref<!tpu.dma_semaphore, #tpu.memory_space<semaphore_mem>>) src(%dma_wait3A_434 : memref<80xi32, #tpu.memory_space<hbm>>) dst(%dma_wait3A_433 : memref<80xi32, #tpu.memory_space<vmem>>)
    %rem3A_435 = arith.constant 1 : i32
    %rem3A_436 = arith.constant 16 : i32
    %rem3A_437 = arith.remsi %rem3A_435, %rem3A_436 : i32
    %rem3A_438 = arith.constant 1 : i32
    %rem3A_439 = arith.constant 4 : i32
    %rem3A_440 = arith.remsi %rem3A_438, %rem3A_439 : i32
    %dma_start3A_441 = arith.constant 0 : i32
    %dma_start3A_442 = arith.constant 0 : i32
    %dma_start3A_443 = tpu.memref_slice %arg9[%rem3A_440, %dma_start3A_441, %dma_start3A_442] : memref<4x80x128xf32, #tpu.memory_space<vmem>> -> memref<1x80x128xf32, #tpu.memory_space<vmem>>
    %dma_start3A_444 = tpu.memref_squeeze %dma_start3A_443 : memref<1x80x128xf32, #tpu.memory_space<vmem>> -> memref<80x128xf32, #tpu.memory_space<vmem>>
    %dma_start3A_445 = arith.constant 0 : i32
    %dma_start3A_446 = tpu.memref_slice %arg7[%rem3A_437, %dma_start3A_445] : memref<16x80xi32, #tpu.memory_space<vmem>> -> memref<1x80xi32, #tpu.memory_space<vmem>>
    %dma_start3A_447 = tpu.memref_squeeze %dma_start3A_446 : memref<1x80xi32, #tpu.memory_space<vmem>> -> memref<80xi32, #tpu.memory_space<vmem>>
    %dma_start3A_448 = arith.constant 0 : i32
    %dma_start3A_449 = arith.constant 0 : i32
    %dma_start3A_450 = tpu.memref_slice %arg2[%dma_start3A_448, %dma_start3A_449] : memref<10000x128xf32, #tpu.memory_space<hbm>> -> memref<10000x128xf32, #tpu.memory_space<hbm>>
    tpu.enqueue_indirect_dma source(%dma_start3A_450 : memref<10000x128xf32, #tpu.memory_space<hbm>>) target(%dma_start3A_444 : memref<80x128xf32, #tpu.memory_space<vmem>>) offsets(%dma_start3A_447 : memref<80xi32, #tpu.memory_space<vmem>>) semaphore(%arg12 : memref<!tpu.dma_semaphore, #tpu.memory_space<semaphore_mem>>)
    %rem3A_451 = arith.constant 2 : i32
    %rem3A_452 = arith.constant 16 : i32
    %rem3A_453 = arith.remsi %rem3A_451, %rem3A_452 : i32
    %dma_wait3A_454 = arith.constant 0 : i32
    %dma_wait3A_455 = tpu.memref_slice %arg7[%rem3A_453, %dma_wait3A_454] : memref<16x80xi32, #tpu.memory_space<vmem>> -> memref<1x80xi32, #tpu.memory_space<vmem>>
    %dma_wait3A_456 = tpu.memref_squeeze %dma_wait3A_455 : memref<1x80xi32, #tpu.memory_space<vmem>> -> memref<80xi32, #tpu.memory_space<vmem>>
    %dma_wait3A_457 = tpu.memref_slice %arg3[%mul3A_2] : memref<320000xi32, #tpu.memory_space<hbm>> -> memref<80xi32, #tpu.memory_space<hbm>>
    %dma_wait3A_458 = arith.constant 0 : i32
    %dma_wait3A_459 = tpu.memref_slice %arg7[%rem3A_453, %dma_wait3A_458] : memref<16x80xi32, #tpu.memory_space<vmem>> -> memref<1x80xi32, #tpu.memory_space<vmem>>
    %dma_wait3A_460 = tpu.memref_squeeze %dma_wait3A_459 : memref<1x80xi32, #tpu.memory_space<vmem>> -> memref<80xi32, #tpu.memory_space<vmem>>
    %dma_wait3A_461 = tpu.memref_slice %arg3[%mul3A_2] : memref<320000xi32, #tpu.memory_space<hbm>> -> memref<80xi32, #tpu.memory_space<hbm>>
    tpu.wait_dma2 semaphore(%arg11 : memref<!tpu.dma_semaphore, #tpu.memory_space<semaphore_mem>>) src(%dma_wait3A_461 : memref<80xi32, #tpu.memory_space<hbm>>) dst(%dma_wait3A_460 : memref<80xi32, #tpu.memory_space<vmem>>)
    %dma_wait3A_462 = arith.constant 0 : i32
    %dma_wait3A_463 = tpu.memref_slice %arg8[%rem3A_453, %dma_wait3A_462] : memref<16x80xi32, #tpu.memory_space<vmem>> -> memref<1x80xi32, #tpu.memory_space<vmem>>
    %dma_wait3A_464 = tpu.memref_squeeze %dma_wait3A_463 : memref<1x80xi32, #tpu.memory_space<vmem>> -> memref<80xi32, #tpu.memory_space<vmem>>
    %dma_wait3A_465 = tpu.memref_slice %arg4[%mul3A_2] : memref<320000xi32, #tpu.memory_space<hbm>> -> memref<80xi32, #tpu.memory_space<hbm>>
    %dma_wait3A_466 = arith.constant 0 : i32
    %dma_wait3A_467 = tpu.memref_slice %arg8[%rem3A_453, %dma_wait3A_466] : memref<16x80xi32, #tpu.memory_space<vmem>> -> memref<1x80xi32, #tpu.memory_space<vmem>>
    %dma_wait3A_468 = tpu.memref_squeeze %dma_wait3A_467 : memref<1x80xi32, #tpu.memory_space<vmem>> -> memref<80xi32, #tpu.memory_space<vmem>>
    %dma_wait3A_469 = tpu.memref_slice %arg4[%mul3A_2] : memref<320000xi32, #tpu.memory_space<hbm>> -> memref<80xi32, #tpu.memory_space<hbm>>
    tpu.wait_dma2 semaphore(%arg11 : memref<!tpu.dma_semaphore, #tpu.memory_space<semaphore_mem>>) src(%dma_wait3A_469 : memref<80xi32, #tpu.memory_space<hbm>>) dst(%dma_wait3A_468 : memref<80xi32, #tpu.memory_space<vmem>>)
    %rem3A_470 = arith.constant 2 : i32
    %rem3A_471 = arith.constant 16 : i32
    %rem3A_472 = arith.remsi %rem3A_470, %rem3A_471 : i32
    %rem3A_473 = arith.constant 2 : i32
    %rem3A_474 = arith.constant 4 : i32
    %rem3A_475 = arith.remsi %rem3A_473, %rem3A_474 : i32
    %dma_start3A_476 = arith.constant 0 : i32
    %dma_start3A_477 = arith.constant 0 : i32
    %dma_start3A_478 = tpu.memref_slice %arg9[%rem3A_475, %dma_start3A_476, %dma_start3A_477] : memref<4x80x128xf32, #tpu.memory_space<vmem>> -> memref<1x80x128xf32, #tpu.memory_space<vmem>>
    %dma_start3A_479 = tpu.memref_squeeze %dma_start3A_478 : memref<1x80x128xf32, #tpu.memory_space<vmem>> -> memref<80x128xf32, #tpu.memory_space<vmem>>
    %dma_start3A_480 = arith.constant 0 : i32
    %dma_start3A_481 = tpu.memref_slice %arg7[%rem3A_472, %dma_start3A_480] : memref<16x80xi32, #tpu.memory_space<vmem>> -> memref<1x80xi32, #tpu.memory_space<vmem>>
    %dma_start3A_482 = tpu.memref_squeeze %dma_start3A_481 : memref<1x80xi32, #tpu.memory_space<vmem>> -> memref<80xi32, #tpu.memory_space<vmem>>
    %dma_start3A_483 = arith.constant 0 : i32
    %dma_start3A_484 = arith.constant 0 : i32
    %dma_start3A_485 = tpu.memref_slice %arg2[%dma_start3A_483, %dma_start3A_484] : memref<10000x128xf32, #tpu.memory_space<hbm>> -> memref<10000x128xf32, #tpu.memory_space<hbm>>
    tpu.enqueue_indirect_dma source(%dma_start3A_485 : memref<10000x128xf32, #tpu.memory_space<hbm>>) target(%dma_start3A_479 : memref<80x128xf32, #tpu.memory_space<vmem>>) offsets(%dma_start3A_482 : memref<80xi32, #tpu.memory_space<vmem>>) semaphore(%arg12 : memref<!tpu.dma_semaphore, #tpu.memory_space<semaphore_mem>>)
    %rem3A_486 = arith.constant 3 : i32
    %rem3A_487 = arith.constant 16 : i32
    %rem3A_488 = arith.remsi %rem3A_486, %rem3A_487 : i32
    %dma_wait3A_489 = arith.constant 0 : i32
    %dma_wait3A_490 = tpu.memref_slice %arg7[%rem3A_488, %dma_wait3A_489] : memref<16x80xi32, #tpu.memory_space<vmem>> -> memref<1x80xi32, #tpu.memory_space<vmem>>
    %dma_wait3A_491 = tpu.memref_squeeze %dma_wait3A_490 : memref<1x80xi32, #tpu.memory_space<vmem>> -> memref<80xi32, #tpu.memory_space<vmem>>
    %dma_wait3A_492 = tpu.memref_slice %arg3[%mul3A_2] : memref<320000xi32, #tpu.memory_space<hbm>> -> memref<80xi32, #tpu.memory_space<hbm>>
    %dma_wait3A_493 = arith.constant 0 : i32
    %dma_wait3A_494 = tpu.memref_slice %arg7[%rem3A_488, %dma_wait3A_493] : memref<16x80xi32, #tpu.memory_space<vmem>> -> memref<1x80xi32, #tpu.memory_space<vmem>>
    %dma_wait3A_495 = tpu.memref_squeeze %dma_wait3A_494 : memref<1x80xi32, #tpu.memory_space<vmem>> -> memref<80xi32, #tpu.memory_space<vmem>>
    %dma_wait3A_496 = tpu.memref_slice %arg3[%mul3A_2] : memref<320000xi32, #tpu.memory_space<hbm>> -> memref<80xi32, #tpu.memory_space<hbm>>
    tpu.wait_dma2 semaphore(%arg11 : memref<!tpu.dma_semaphore, #tpu.memory_space<semaphore_mem>>) src(%dma_wait3A_496 : memref<80xi32, #tpu.memory_space<hbm>>) dst(%dma_wait3A_495 : memref<80xi32, #tpu.memory_space<vmem>>)
    %dma_wait3A_497 = arith.constant 0 : i32
    %dma_wait3A_498 = tpu.memref_slice %arg8[%rem3A_488, %dma_wait3A_497] : memref<16x80xi32, #tpu.memory_space<vmem>> -> memref<1x80xi32, #tpu.memory_space<vmem>>
    %dma_wait3A_499 = tpu.memref_squeeze %dma_wait3A_498 : memref<1x80xi32, #tpu.memory_space<vmem>> -> memref<80xi32, #tpu.memory_space<vmem>>
    %dma_wait3A_500 = tpu.memref_slice %arg4[%mul3A_2] : memref<320000xi32, #tpu.memory_space<hbm>> -> memref<80xi32, #tpu.memory_space<hbm>>
    %dma_wait3A_501 = arith.constant 0 : i32
    %dma_wait3A_502 = tpu.memref_slice %arg8[%rem3A_488, %dma_wait3A_501] : memref<16x80xi32, #tpu.memory_space<vmem>> -> memref<1x80xi32, #tpu.memory_space<vmem>>
    %dma_wait3A_503 = tpu.memref_squeeze %dma_wait3A_502 : memref<1x80xi32, #tpu.memory_space<vmem>> -> memref<80xi32, #tpu.memory_space<vmem>>
    %dma_wait3A_504 = tpu.memref_slice %arg4[%mul3A_2] : memref<320000xi32, #tpu.memory_space<hbm>> -> memref<80xi32, #tpu.memory_space<hbm>>
    tpu.wait_dma2 semaphore(%arg11 : memref<!tpu.dma_semaphore, #tpu.memory_space<semaphore_mem>>) src(%dma_wait3A_504 : memref<80xi32, #tpu.memory_space<hbm>>) dst(%dma_wait3A_503 : memref<80xi32, #tpu.memory_space<vmem>>)
    %rem3A_505 = arith.constant 3 : i32
    %rem3A_506 = arith.constant 16 : i32
    %rem3A_507 = arith.remsi %rem3A_505, %rem3A_506 : i32
    %rem3A_508 = arith.constant 3 : i32
    %rem3A_509 = arith.constant 4 : i32
    %rem3A_510 = arith.remsi %rem3A_508, %rem3A_509 : i32
    %dma_start3A_511 = arith.constant 0 : i32
    %dma_start3A_512 = arith.constant 0 : i32
    %dma_start3A_513 = tpu.memref_slice %arg9[%rem3A_510, %dma_start3A_511, %dma_start3A_512] : memref<4x80x128xf32, #tpu.memory_space<vmem>> -> memref<1x80x128xf32, #tpu.memory_space<vmem>>
    %dma_start3A_514 = tpu.memref_squeeze %dma_start3A_513 : memref<1x80x128xf32, #tpu.memory_space<vmem>> -> memref<80x128xf32, #tpu.memory_space<vmem>>
    %dma_start3A_515 = arith.constant 0 : i32
    %dma_start3A_516 = tpu.memref_slice %arg7[%rem3A_507, %dma_start3A_515] : memref<16x80xi32, #tpu.memory_space<vmem>> -> memref<1x80xi32, #tpu.memory_space<vmem>>
    %dma_start3A_517 = tpu.memref_squeeze %dma_start3A_516 : memref<1x80xi32, #tpu.memory_space<vmem>> -> memref<80xi32, #tpu.memory_space<vmem>>
    %dma_start3A_518 = arith.constant 0 : i32
    %dma_start3A_519 = arith.constant 0 : i32
    %dma_start3A_520 = tpu.memref_slice %arg2[%dma_start3A_518, %dma_start3A_519] : memref<10000x128xf32, #tpu.memory_space<hbm>> -> memref<10000x128xf32, #tpu.memory_space<hbm>>
    tpu.enqueue_indirect_dma source(%dma_start3A_520 : memref<10000x128xf32, #tpu.memory_space<hbm>>) target(%dma_start3A_514 : memref<80x128xf32, #tpu.memory_space<vmem>>) offsets(%dma_start3A_517 : memref<80xi32, #tpu.memory_space<vmem>>) semaphore(%arg12 : memref<!tpu.dma_semaphore, #tpu.memory_space<semaphore_mem>>)
    %scan3A_521 = arith.constant 0 : i32
    %scan3A_522 = arith.constant 0 : i32
    %scan3A_523 = arith.constant 125 : i32
    %scan3A_524 = arith.addi %scan3A_522, %scan3A_523 : i32
    %scan3A_525 = arith.constant 1 : i32
    scf.for %scan3A_535 = %scan3A_522 to %scan3A_524 step %scan3A_525  : i32 {
      %rem3A_536 = arith.constant 16 : i32
      %rem3A_537 = arith.remsi %scan3A_535, %rem3A_536 : i32
      %rem3A_538 = arith.constant 4 : i32
      %rem3A_539 = arith.remsi %scan3A_535, %rem3A_538 : i32
      %dma_wait3A_540 = arith.constant 0 : i32
      %dma_wait3A_541 = arith.constant 0 : i32
      %dma_wait3A_542 = tpu.memref_slice %arg9[%rem3A_539, %dma_wait3A_540, %dma_wait3A_541] : memref<4x80x128xf32, #tpu.memory_space<vmem>> -> memref<1x80x128xf32, #tpu.memory_space<vmem>>
      %dma_wait3A_543 = tpu.memref_squeeze %dma_wait3A_542 : memref<1x80x128xf32, #tpu.memory_space<vmem>> -> memref<80x128xf32, #tpu.memory_space<vmem>>
      %dma_wait3A_544 = arith.constant 0 : i32
      %dma_wait3A_545 = tpu.memref_slice %arg7[%rem3A_537, %dma_wait3A_544] : memref<16x80xi32, #tpu.memory_space<vmem>> -> memref<1x80xi32, #tpu.memory_space<vmem>>
      %dma_wait3A_546 = tpu.memref_squeeze %dma_wait3A_545 : memref<1x80xi32, #tpu.memory_space<vmem>> -> memref<80xi32, #tpu.memory_space<vmem>>
      %dma_wait3A_547 = arith.constant 0 : i32
      %dma_wait3A_548 = arith.constant 0 : i32
      %dma_wait3A_549 = tpu.memref_slice %arg2[%dma_wait3A_547, %dma_wait3A_548] : memref<10000x128xf32, #tpu.memory_space<hbm>> -> memref<10000x128xf32, #tpu.memory_space<hbm>>
      tpu.wait_indirect_dma semaphore(%arg12 : memref<!tpu.dma_semaphore, #tpu.memory_space<semaphore_mem>>) src(%dma_wait3A_549 : memref<10000x128xf32, #tpu.memory_space<hbm>>) dst(%dma_wait3A_543 : memref<80x128xf32, #tpu.memory_space<vmem>>)
      %rem3A_550 = arith.constant 4 : i32
      %rem3A_551 = arith.remsi %scan3A_535, %rem3A_550 : i32
      %rem3A_552 = arith.constant 16 : i32
      %rem3A_553 = arith.remsi %scan3A_535, %rem3A_552 : i32
      "tpu.region"() ({
        %run_scoped3A_567 = tpu.sem_alloc : memref<!tpu.dma_semaphore, #tpu.memory_space<semaphore_mem>>
        %dma_start3A_568 = arith.constant 0 : i32
        %dma_start3A_569 = arith.constant 0 : i32
        %dma_start3A_570 = tpu.memref_slice %arg9[%rem3A_551, %dma_start3A_568, %dma_start3A_569] : memref<4x80x128xf32, #tpu.memory_space<vmem>> -> memref<1x80x128xf32, #tpu.memory_space<vmem>>
        %dma_start3A_571 = tpu.memref_squeeze %dma_start3A_570 : memref<1x80x128xf32, #tpu.memory_space<vmem>> -> memref<80x128xf32, #tpu.memory_space<vmem>>
        %dma_start3A_572 = arith.constant 0 : i32
        %dma_start3A_573 = tpu.memref_slice %arg8[%rem3A_553, %dma_start3A_572] : memref<16x80xi32, #tpu.memory_space<vmem>> -> memref<1x80xi32, #tpu.memory_space<vmem>>
        %dma_start3A_574 = tpu.memref_squeeze %dma_start3A_573 : memref<1x80xi32, #tpu.memory_space<vmem>> -> memref<80xi32, #tpu.memory_space<vmem>>
        %dma_start3A_575 = arith.constant 0 : i32
        %dma_start3A_576 = arith.constant 0 : i32
        %dma_start3A_577 = tpu.memref_slice %arg10[%dma_start3A_575, %dma_start3A_576] : memref<10240x128xf32, #tpu.memory_space<vmem_shared>> -> memref<10240x128xf32, #tpu.memory_space<vmem_shared>>
        tpu.enqueue_indirect_dma source(%dma_start3A_571 : memref<80x128xf32, #tpu.memory_space<vmem>>) target(%dma_start3A_577 : memref<10240x128xf32, #tpu.memory_space<vmem_shared>>) offsets(%dma_start3A_574 : memref<80xi32, #tpu.memory_space<vmem>>) semaphore(%run_scoped3A_567 : memref<!tpu.dma_semaphore, #tpu.memory_space<semaphore_mem>>) {add = true}
        %dma_wait3A_578 = arith.constant 0 : i32
        %dma_wait3A_579 = arith.constant 0 : i32
        %dma_wait3A_580 = tpu.memref_slice %arg9[%rem3A_551, %dma_wait3A_578, %dma_wait3A_579] : memref<4x80x128xf32, #tpu.memory_space<vmem>> -> memref<1x80x128xf32, #tpu.memory_space<vmem>>
        %dma_wait3A_581 = tpu.memref_squeeze %dma_wait3A_580 : memref<1x80x128xf32, #tpu.memory_space<vmem>> -> memref<80x128xf32, #tpu.memory_space<vmem>>
        %dma_wait3A_582 = arith.constant 0 : i32
        %dma_wait3A_583 = tpu.memref_slice %arg8[%rem3A_553, %dma_wait3A_582] : memref<16x80xi32, #tpu.memory_space<vmem>> -> memref<1x80xi32, #tpu.memory_space<vmem>>
        %dma_wait3A_584 = tpu.memref_squeeze %dma_wait3A_583 : memref<1x80xi32, #tpu.memory_space<vmem>> -> memref<80xi32, #tpu.memory_space<vmem>>
        %dma_wait3A_585 = arith.constant 0 : i32
        %dma_wait3A_586 = arith.constant 0 : i32
        %dma_wait3A_587 = tpu.memref_slice %arg10[%dma_wait3A_585, %dma_wait3A_586] : memref<10240x128xf32, #tpu.memory_space<vmem_shared>> -> memref<10240x128xf32, #tpu.memory_space<vmem_shared>>
        tpu.wait_indirect_dma semaphore(%run_scoped3A_567 : memref<!tpu.dma_semaphore, #tpu.memory_space<semaphore_mem>>) src(%dma_wait3A_581 : memref<80x128xf32, #tpu.memory_space<vmem>>) dst(%dma_wait3A_587 : memref<10240x128xf32, #tpu.memory_space<vmem_shared>>)
        tpu.yield
      }) : () -> ()
      %add3A_554 = arith.constant 4 : i32
      %add3A_555 = arith.addi %scan3A_535, %add3A_554 : i32
      %lt3A = arith.constant 125 : i32
      %lt3A_556 = arith.cmpi slt, %add3A_555, %lt3A : i32
      %convert_element_type3A_557 = arith.extui %lt3A_556 : i1 to i32
      %cond3A_558 = arith.constant 0 : i32
      %cond3A_559 = arith.cmpi ne, %convert_element_type3A_557, %cond3A_558 : i32
      scf.if %cond3A_559 {
        %add3A_567 = arith.constant 4 : i32
        %add3A_568 = arith.addi %scan3A_535, %add3A_567 : i32
        %rem3A_569 = arith.constant 16 : i32
        %rem3A_570 = arith.remsi %add3A_568, %rem3A_569 : i32
        %dma_wait3A_571 = arith.constant 0 : i32
        %dma_wait3A_572 = tpu.memref_slice %arg7[%rem3A_570, %dma_wait3A_571] : memref<16x80xi32, #tpu.memory_space<vmem>> -> memref<1x80xi32, #tpu.memory_space<vmem>>
        %dma_wait3A_573 = tpu.memref_squeeze %dma_wait3A_572 : memref<1x80xi32, #tpu.memory_space<vmem>> -> memref<80xi32, #tpu.memory_space<vmem>>
        %dma_wait3A_574 = tpu.memref_slice %arg3[%mul3A_2] : memref<320000xi32, #tpu.memory_space<hbm>> -> memref<80xi32, #tpu.memory_space<hbm>>
        %dma_wait3A_575 = arith.constant 0 : i32
        %dma_wait3A_576 = tpu.memref_slice %arg7[%rem3A_570, %dma_wait3A_575] : memref<16x80xi32, #tpu.memory_space<vmem>> -> memref<1x80xi32, #tpu.memory_space<vmem>>
        %dma_wait3A_577 = tpu.memref_squeeze %dma_wait3A_576 : memref<1x80xi32, #tpu.memory_space<vmem>> -> memref<80xi32, #tpu.memory_space<vmem>>
        %dma_wait3A_578 = tpu.memref_slice %arg3[%mul3A_2] : memref<320000xi32, #tpu.memory_space<hbm>> -> memref<80xi32, #tpu.memory_space<hbm>>
        tpu.wait_dma2 semaphore(%arg11 : memref<!tpu.dma_semaphore, #tpu.memory_space<semaphore_mem>>) src(%dma_wait3A_578 : memref<80xi32, #tpu.memory_space<hbm>>) dst(%dma_wait3A_577 : memref<80xi32, #tpu.memory_space<vmem>>)
        %dma_wait3A_579 = arith.constant 0 : i32
        %dma_wait3A_580 = tpu.memref_slice %arg8[%rem3A_570, %dma_wait3A_579] : memref<16x80xi32, #tpu.memory_space<vmem>> -> memref<1x80xi32, #tpu.memory_space<vmem>>
        %dma_wait3A_581 = tpu.memref_squeeze %dma_wait3A_580 : memref<1x80xi32, #tpu.memory_space<vmem>> -> memref<80xi32, #tpu.memory_space<vmem>>
        %dma_wait3A_582 = tpu.memref_slice %arg4[%mul3A_2] : memref<320000xi32, #tpu.memory_space<hbm>> -> memref<80xi32, #tpu.memory_space<hbm>>
        %dma_wait3A_583 = arith.constant 0 : i32
        %dma_wait3A_584 = tpu.memref_slice %arg8[%rem3A_570, %dma_wait3A_583] : memref<16x80xi32, #tpu.memory_space<vmem>> -> memref<1x80xi32, #tpu.memory_space<vmem>>
        %dma_wait3A_585 = tpu.memref_squeeze %dma_wait3A_584 : memref<1x80xi32, #tpu.memory_space<vmem>> -> memref<80xi32, #tpu.memory_space<vmem>>
        %dma_wait3A_586 = tpu.memref_slice %arg4[%mul3A_2] : memref<320000xi32, #tpu.memory_space<hbm>> -> memref<80xi32, #tpu.memory_space<hbm>>
        tpu.wait_dma2 semaphore(%arg11 : memref<!tpu.dma_semaphore, #tpu.memory_space<semaphore_mem>>) src(%dma_wait3A_586 : memref<80xi32, #tpu.memory_space<hbm>>) dst(%dma_wait3A_585 : memref<80xi32, #tpu.memory_space<vmem>>)
        %add3A_587 = arith.constant 4 : i32
        %add3A_588 = arith.addi %scan3A_535, %add3A_587 : i32
        %rem3A_589 = arith.constant 16 : i32
        %rem3A_590 = arith.remsi %add3A_588, %rem3A_589 : i32
        %rem3A_591 = arith.constant 4 : i32
        %rem3A_592 = arith.remsi %add3A_588, %rem3A_591 : i32
        %dma_start3A_593 = arith.constant 0 : i32
        %dma_start3A_594 = arith.constant 0 : i32
        %dma_start3A_595 = tpu.memref_slice %arg9[%rem3A_592, %dma_start3A_593, %dma_start3A_594] : memref<4x80x128xf32, #tpu.memory_space<vmem>> -> memref<1x80x128xf32, #tpu.memory_space<vmem>>
        %dma_start3A_596 = tpu.memref_squeeze %dma_start3A_595 : memref<1x80x128xf32, #tpu.memory_space<vmem>> -> memref<80x128xf32, #tpu.memory_space<vmem>>
        %dma_start3A_597 = arith.constant 0 : i32
        %dma_start3A_598 = tpu.memref_slice %arg7[%rem3A_590, %dma_start3A_597] : memref<16x80xi32, #tpu.memory_space<vmem>> -> memref<1x80xi32, #tpu.memory_space<vmem>>
        %dma_start3A_599 = tpu.memref_squeeze %dma_start3A_598 : memref<1x80xi32, #tpu.memory_space<vmem>> -> memref<80xi32, #tpu.memory_space<vmem>>
        %dma_start3A_600 = arith.constant 0 : i32
        %dma_start3A_601 = arith.constant 0 : i32
        %dma_start3A_602 = tpu.memref_slice %arg2[%dma_start3A_600, %dma_start3A_601] : memref<10000x128xf32, #tpu.memory_space<hbm>> -> memref<10000x128xf32, #tpu.memory_space<hbm>>
        tpu.enqueue_indirect_dma source(%dma_start3A_602 : memref<10000x128xf32, #tpu.memory_space<hbm>>) target(%dma_start3A_596 : memref<80x128xf32, #tpu.memory_space<vmem>>) offsets(%dma_start3A_599 : memref<80xi32, #tpu.memory_space<vmem>>) semaphore(%arg12 : memref<!tpu.dma_semaphore, #tpu.memory_space<semaphore_mem>>)
      } else {
      }
      %add3A_560 = arith.constant 16 : i32
      %add3A_561 = arith.addi %scan3A_535, %add3A_560 : i32
      %lt3A_562 = arith.constant 125 : i32
      %lt3A_563 = arith.cmpi slt, %add3A_561, %lt3A_562 : i32
      %convert_element_type3A_564 = arith.extui %lt3A_563 : i1 to i32
      %cond3A_565 = arith.constant 0 : i32
      %cond3A_566 = arith.cmpi ne, %convert_element_type3A_564, %cond3A_565 : i32
      scf.if %cond3A_566 {
        %add3A_567 = arith.constant 16 : i32
        %add3A_568 = arith.addi %scan3A_535, %add3A_567 : i32
        %rem3A_569 = arith.constant 16 : i32
        %rem3A_570 = arith.remsi %add3A_568, %rem3A_569 : i32
        %mul3A_571 = arith.constant 80 : i32
        %mul3A_572 = arith.muli %add3A_568, %mul3A_571 : i32
        %add3A_573 = arith.addi %mul3A_2, %mul3A_572 : i32
        %dma_start3A_574 = arith.constant 0 : i32
        %dma_start3A_575 = tpu.memref_slice %arg7[%rem3A_570, %dma_start3A_574] : memref<16x80xi32, #tpu.memory_space<vmem>> -> memref<1x80xi32, #tpu.memory_space<vmem>>
        %dma_start3A_576 = tpu.memref_squeeze %dma_start3A_575 : memref<1x80xi32, #tpu.memory_space<vmem>> -> memref<80xi32, #tpu.memory_space<vmem>>
        %dma_start3A_577 = tpu.memref_slice %arg3[%add3A_573] : memref<320000xi32, #tpu.memory_space<hbm>> -> memref<80xi32, #tpu.memory_space<hbm>>
        %dma_start3A_578 = arith.constant 0 : i32
        %dma_start3A_579 = tpu.memref_slice %arg7[%rem3A_570, %dma_start3A_578] : memref<16x80xi32, #tpu.memory_space<vmem>> -> memref<1x80xi32, #tpu.memory_space<vmem>>
        %dma_start3A_580 = tpu.memref_squeeze %dma_start3A_579 : memref<1x80xi32, #tpu.memory_space<vmem>> -> memref<80xi32, #tpu.memory_space<vmem>>
        %dma_start3A_581 = tpu.memref_slice %arg3[%add3A_573] : memref<320000xi32, #tpu.memory_space<hbm>> -> memref<80xi32, #tpu.memory_space<hbm>>
        tpu.enqueue_dma source(%dma_start3A_581 : memref<80xi32, #tpu.memory_space<hbm>>) target(%dma_start3A_580 : memref<80xi32, #tpu.memory_space<vmem>>) target_semaphore(%arg11 : memref<!tpu.dma_semaphore, #tpu.memory_space<semaphore_mem>>)
        %dma_start3A_582 = arith.constant 0 : i32
        %dma_start3A_583 = tpu.memref_slice %arg8[%rem3A_570, %dma_start3A_582] : memref<16x80xi32, #tpu.memory_space<vmem>> -> memref<1x80xi32, #tpu.memory_space<vmem>>
        %dma_start3A_584 = tpu.memref_squeeze %dma_start3A_583 : memref<1x80xi32, #tpu.memory_space<vmem>> -> memref<80xi32, #tpu.memory_space<vmem>>
        %dma_start3A_585 = tpu.memref_slice %arg4[%add3A_573] : memref<320000xi32, #tpu.memory_space<hbm>> -> memref<80xi32, #tpu.memory_space<hbm>>
        %dma_start3A_586 = arith.constant 0 : i32
        %dma_start3A_587 = tpu.memref_slice %arg8[%rem3A_570, %dma_start3A_586] : memref<16x80xi32, #tpu.memory_space<vmem>> -> memref<1x80xi32, #tpu.memory_space<vmem>>
        %dma_start3A_588 = tpu.memref_squeeze %dma_start3A_587 : memref<1x80xi32, #tpu.memory_space<vmem>> -> memref<80xi32, #tpu.memory_space<vmem>>
        %dma_start3A_589 = tpu.memref_slice %arg4[%add3A_573] : memref<320000xi32, #tpu.memory_space<hbm>> -> memref<80xi32, #tpu.memory_space<hbm>>
        tpu.enqueue_dma source(%dma_start3A_589 : memref<80xi32, #tpu.memory_space<hbm>>) target(%dma_start3A_588 : memref<80xi32, #tpu.memory_space<vmem>>) target_semaphore(%arg11 : memref<!tpu.dma_semaphore, #tpu.memory_space<semaphore_mem>>)
      } else {
      }
    }
    %scan3A_526 = arith.constant 125 : i32
    %barrier3A_527 = arith.constant 0 : index
    tpu.barrier barrier_id(%barrier3A_527)
    %eq3A = arith.constant 0 : i32
    %eq3A_528 = arith.cmpi eq, %arg0, %eq3A : i32
    %convert_element_type3A = arith.extui %eq3A_528 : i1 to i32
    %cond3A = arith.constant 0 : i32
    %cond3A_529 = arith.cmpi ne, %convert_element_type3A, %cond3A : i32
    scf.if %cond3A_529 {
      %mul3A_535 = arith.constant 640 : i32
      %mul3A_536 = arith.muli %arg1, %mul3A_535 : i32
      %mul3A_537 = arith.constant 640 : i32
      %mul3A_538 = arith.muli %arg1, %mul3A_537 : i32
      "tpu.region"() ({
        %run_scoped3A_539 = tpu.sem_alloc : memref<!tpu.dma_semaphore, #tpu.memory_space<semaphore_mem>>
        %dma_start3A_540 = arith.constant 0 : i32
        %dma_start3A_541 = tpu.memref_slice %arg5[%mul3A_538, %dma_start3A_540] : memref<10240x128xf32, #tpu.memory_space<hbm>> -> memref<640x128xf32, #tpu.memory_space<hbm>>
        %dma_start3A_542 = arith.constant 0 : i32
        %dma_start3A_543 = tpu.memref_slice %arg10[%mul3A_536, %dma_start3A_542] : memref<10240x128xf32, #tpu.memory_space<vmem_shared>> -> memref<640x128xf32, #tpu.memory_space<vmem_shared>>
        tpu.enqueue_dma source(%dma_start3A_543 : memref<640x128xf32, #tpu.memory_space<vmem_shared>>) target(%dma_start3A_541 : memref<640x128xf32, #tpu.memory_space<hbm>>) target_semaphore(%run_scoped3A_539 : memref<!tpu.dma_semaphore, #tpu.memory_space<semaphore_mem>>)
        %dma_wait3A_544 = arith.constant 0 : i32
        %dma_wait3A_545 = tpu.memref_slice %arg5[%mul3A_538, %dma_wait3A_544] : memref<10240x128xf32, #tpu.memory_space<hbm>> -> memref<640x128xf32, #tpu.memory_space<hbm>>
        %dma_wait3A_546 = arith.constant 0 : i32
        %dma_wait3A_547 = tpu.memref_slice %arg10[%mul3A_536, %dma_wait3A_546] : memref<10240x128xf32, #tpu.memory_space<vmem_shared>> -> memref<640x128xf32, #tpu.memory_space<vmem_shared>>
        tpu.wait_dma2 semaphore(%run_scoped3A_539 : memref<!tpu.dma_semaphore, #tpu.memory_space<semaphore_mem>>) src(%dma_wait3A_547 : memref<640x128xf32, #tpu.memory_space<vmem_shared>>) dst(%dma_wait3A_545 : memref<640x128xf32, #tpu.memory_space<hbm>>)
        tpu.yield
      }) : () -> ()
    } else {
    }
    %eq3A_530 = arith.constant 1 : i32
    %eq3A_531 = arith.cmpi eq, %arg0, %eq3A_530 : i32
    %convert_element_type3A_532 = arith.extui %eq3A_531 : i1 to i32
    %cond3A_533 = arith.constant 0 : i32
    %cond3A_534 = arith.cmpi ne, %convert_element_type3A_532, %cond3A_533 : i32
    scf.if %cond3A_534 {
      %mul3A_535 = arith.constant 640 : i32
      %mul3A_536 = arith.muli %arg1, %mul3A_535 : i32
      %mul3A_537 = arith.constant 640 : i32
      %mul3A_538 = arith.muli %arg1, %mul3A_537 : i32
      "tpu.region"() ({
        %run_scoped3A_539 = tpu.sem_alloc : memref<!tpu.dma_semaphore, #tpu.memory_space<semaphore_mem>>
        %dma_start3A_540 = arith.constant 0 : i32
        %dma_start3A_541 = tpu.memref_slice %arg6[%mul3A_538, %dma_start3A_540] : memref<10240x128xf32, #tpu.memory_space<hbm>> -> memref<640x128xf32, #tpu.memory_space<hbm>>
        %dma_start3A_542 = arith.constant 0 : i32
        %dma_start3A_543 = tpu.memref_slice %arg10[%mul3A_536, %dma_start3A_542] : memref<10240x128xf32, #tpu.memory_space<vmem_shared>> -> memref<640x128xf32, #tpu.memory_space<vmem_shared>>
        tpu.enqueue_dma source(%dma_start3A_543 : memref<640x128xf32, #tpu.memory_space<vmem_shared>>) target(%dma_start3A_541 : memref<640x128xf32, #tpu.memory_space<hbm>>) target_semaphore(%run_scoped3A_539 : memref<!tpu.dma_semaphore, #tpu.memory_space<semaphore_mem>>)
        %dma_wait3A_544 = arith.constant 0 : i32
        %dma_wait3A_545 = tpu.memref_slice %arg6[%mul3A_538, %dma_wait3A_544] : memref<10240x128xf32, #tpu.memory_space<hbm>> -> memref<640x128xf32, #tpu.memory_space<hbm>>
        %dma_wait3A_546 = arith.constant 0 : i32
        %dma_wait3A_547 = tpu.memref_slice %arg10[%mul3A_536, %dma_wait3A_546] : memref<10240x128xf32, #tpu.memory_space<vmem_shared>> -> memref<640x128xf32, #tpu.memory_space<vmem_shared>>
        tpu.wait_dma2 semaphore(%run_scoped3A_539 : memref<!tpu.dma_semaphore, #tpu.memory_space<semaphore_mem>>) src(%dma_wait3A_547 : memref<640x128xf32, #tpu.memory_space<vmem_shared>>) dst(%dma_wait3A_545 : memref<640x128xf32, #tpu.memory_space<hbm>>)
        tpu.yield
      }) : () -> ()
    } else {
    }
    return
  }
}

module attributes {stable_mosaic.version = 14 : i64} {
  func.func @_tc_back(%arg0: i32, %arg1: memref<1000x128xf32, #tpu.memory_space<vmem>>, %arg2: memref<1000x128xf32, #tpu.memory_space<vmem>>, %arg3: memref<1x128xf32, #tpu.memory_space<vmem>>, %arg4: memref<1x128xf32, #tpu.memory_space<vmem>>, %arg5: memref<1000x128xf32, #tpu.memory_space<vmem>>) attributes {dimension_semantics = [#tpu.dimension_semantics<arbitrary>], iteration_bounds = array<i64: 10>, scalar_prefetch = 0 : i64, scratch_operands = 0 : i64, tpu.core_type = #tpu.core_type<tc>, window_params = [{transform_indices = @transform_0, window_bounds = array<i64: 1000, 128>}, {transform_indices = @transform_1, window_bounds = array<i64: 1000, 128>}, {pipeline_mode = #tpu.pipeline_mode<synchronous>, transform_indices = @transform_2, window_bounds = array<i64: 1, 128>}, {pipeline_mode = #tpu.pipeline_mode<synchronous>, transform_indices = @transform_3, window_bounds = array<i64: 1, 128>}, {transform_indices = @transform_4, window_bounds = array<i64: 1000, 128>}]} {
    %get3A = arith.constant 0 : index
    %get3A_0 = arith.constant 0 : index
    %get3A_1 = vector.load %arg1[%get3A, %get3A_0] : memref<1000x128xf32, #tpu.memory_space<vmem>>, vector<1000x128xf32>
    %get3A_2 = arith.constant 0 : index
    %get3A_3 = arith.constant 0 : index
    %get3A_4 = vector.load %arg2[%get3A_2, %get3A_3] : memref<1000x128xf32, #tpu.memory_space<vmem>>, vector<1000x128xf32>
    %add3A = arith.addf %get3A_1, %get3A_4 : vector<1000x128xf32>
    %reduce_sum3A = arith.constant dense<0.000000e+00> : vector<1000xf32>
    %reduce_sum3A_5 = vector.multi_reduction <add>, %add3A, %reduce_sum3A [1] : vector<1000x128xf32> to vector<1000xf32>
    %broadcast_in_dim3A = vector.shape_cast %reduce_sum3A_5 : vector<1000xf32> to vector<1000x1xf32>
    %div3A = arith.constant 1.280000e+02 : f32
    %div3A_6 = vector.broadcast %div3A : f32 to vector<1000x1xf32>
    %div3A_7 = arith.divf %broadcast_in_dim3A, %div3A_6 : vector<1000x1xf32>
    %sub3A = vector.broadcast %div3A_7 : vector<1000x1xf32> to vector<1000x128xf32>
    %sub3A_8 = arith.subf %add3A, %sub3A : vector<1000x128xf32>
    %mul3A = arith.mulf %sub3A_8, %sub3A_8 : vector<1000x128xf32>
    %reduce_sum3A_9 = arith.constant dense<0.000000e+00> : vector<1000xf32>
    %reduce_sum3A_10 = vector.multi_reduction <add>, %mul3A, %reduce_sum3A_9 [1] : vector<1000x128xf32> to vector<1000xf32>
    %broadcast_in_dim3A_11 = vector.shape_cast %reduce_sum3A_10 : vector<1000xf32> to vector<1000x1xf32>
    %div3A_12 = arith.constant 1.280000e+02 : f32
    %div3A_13 = vector.broadcast %div3A_12 : f32 to vector<1000x1xf32>
    %div3A_14 = arith.divf %broadcast_in_dim3A_11, %div3A_13 : vector<1000x1xf32>
    %add3A_15 = arith.constant 9.99999974E-6 : f32
    %add3A_16 = vector.broadcast %add3A_15 : f32 to vector<1000x1xf32>
    %add3A_17 = arith.addf %div3A_14, %add3A_16 : vector<1000x1xf32>
    %rsqrt3A = math.rsqrt %add3A_17 : vector<1000x1xf32>
    %mul3A_18 = vector.broadcast %rsqrt3A : vector<1000x1xf32> to vector<1000x128xf32>
    %mul3A_19 = arith.mulf %sub3A_8, %mul3A_18 : vector<1000x128xf32>
    %get3A_20 = arith.constant 0 : index
    %get3A_21 = arith.constant 0 : index
    %get3A_22 = vector.load %arg3[%get3A_20, %get3A_21] : memref<1x128xf32, #tpu.memory_space<vmem>>, vector<1x128xf32>
    %mul3A_23 = vector.broadcast %get3A_22 : vector<1x128xf32> to vector<1000x128xf32>
    %mul3A_24 = arith.mulf %mul3A_19, %mul3A_23 : vector<1000x128xf32>
    %get3A_25 = arith.constant 0 : index
    %get3A_26 = arith.constant 0 : index
    %get3A_27 = vector.load %arg4[%get3A_25, %get3A_26] : memref<1x128xf32, #tpu.memory_space<vmem>>, vector<1x128xf32>
    %add3A_28 = vector.broadcast %get3A_27 : vector<1x128xf32> to vector<1000x128xf32>
    %add3A_29 = arith.addf %mul3A_24, %add3A_28 : vector<1000x128xf32>
    %swap3A = arith.constant 0 : index
    %swap3A_30 = arith.constant 0 : index
    %swap3A_31 = vector.load %arg5[%swap3A, %swap3A_30] : memref<1000x128xf32, #tpu.memory_space<vmem>>, vector<1000x128xf32>
    tpu.vector_store %arg5[%swap3A, %swap3A_30], %add3A_29 {strides = array<i32>} : memref<1000x128xf32, #tpu.memory_space<vmem>>, vector<1000x128xf32>,
    return
  }
  func.func @transform_0(%arg0: i32) -> (i32, i32) {
    %c0_i32 = arith.constant 0 : i32
    %c0_i32_0 = arith.constant 0 : i32
    return %arg0, %c0_i32 : i32, i32
  }
  func.func @transform_1(%arg0: i32) -> (i32, i32) {
    %c0_i32 = arith.constant 0 : i32
    %c0_i32_0 = arith.constant 0 : i32
    return %arg0, %c0_i32 : i32, i32
  }
  func.func @transform_2(%arg0: i32) -> (i32, i32) {
    %c0_i32 = arith.constant 0 : i32
    %c0_i32_0 = arith.constant 0 : i32
    %c0_i32_1 = arith.constant 0 : i32
    return %c0_i32, %c0_i32_0 : i32, i32
  }
  func.func @transform_3(%arg0: i32) -> (i32, i32) {
    %c0_i32 = arith.constant 0 : i32
    %c0_i32_0 = arith.constant 0 : i32
    %c0_i32_1 = arith.constant 0 : i32
    return %c0_i32, %c0_i32_0 : i32, i32
  }
  func.func @transform_4(%arg0: i32) -> (i32, i32) {
    %c0_i32 = arith.constant 0 : i32
    %c0_i32_0 = arith.constant 0 : i32
    return %arg0, %c0_i32 : i32, i32
  }
}

module attributes {stable_mosaic.version = 14 : i64} {
  func.func @_tc_front(%arg0: i32, %arg1: memref<1000x128xf32, #tpu.memory_space<vmem>>, %arg2: memref<384x128xf32, #tpu.memory_space<vmem>>, %arg3: memref<1000x128xf32, #tpu.memory_space<vmem>>) attributes {dimension_semantics = [#tpu.dimension_semantics<arbitrary>], iteration_bounds = array<i64: 10>, scalar_prefetch = 0 : i64, scratch_operands = 0 : i64, tpu.core_type = #tpu.core_type<tc>, window_params = [{transform_indices = @transform_0, window_bounds = array<i64: 1000, 128>}, {pipeline_mode = #tpu.pipeline_mode<synchronous>, transform_indices = @transform_1, window_bounds = array<i64: 384, 128>}, {transform_indices = @transform_2, window_bounds = array<i64: 1000, 128>}]} {
    %get3A = arith.constant 0 : index
    %get3A_0 = arith.constant 0 : index
    %get3A_1 = vector.load %arg1[%get3A, %get3A_0] : memref<1000x128xf32, #tpu.memory_space<vmem>>, vector<1000x128xf32>
    %get3A_2 = arith.constant 0 : index
    %get3A_3 = arith.constant 0 : index
    %get3A_4 = vector.load %arg2[%get3A_2, %get3A_3] : memref<384x128xf32, #tpu.memory_space<vmem>>, vector<384x128xf32>
    %dot_general3A = arith.constant dense<0.000000e+00> : vector<1000x384xf32>
    %dot_general3A_5 = tpu.matmul %get3A_1, %get3A_4, %dot_general3A {dimension_numbers = #tpu.dot_dimension_numbers<[1], [1], [0], [0], [0, 0, 1, 0], [], []>, transpose_lhs_hint = false} : vector<1000x128xf32>, vector<384x128xf32>, vector<1000x384xf32> -> vector<1000x384xf32>
    %slice3A = vector.extract_strided_slice %dot_general3A_5 {offsets = [0, 0], sizes = [1000, 128], strides = [1, 1]} : vector<1000x384xf32> to vector<1000x128xf32>
    %slice3A_6 = vector.extract_strided_slice %dot_general3A_5 {offsets = [0, 128], sizes = [1000, 128], strides = [1, 1]} : vector<1000x384xf32> to vector<1000x128xf32>
    %slice3A_7 = vector.extract_strided_slice %dot_general3A_5 {offsets = [0, 256], sizes = [1000, 128], strides = [1, 1]} : vector<1000x384xf32> to vector<1000x128xf32>
    %mul3A = arith.mulf %slice3A_6, %slice3A : vector<1000x128xf32>
    %add3A = arith.addf %mul3A, %slice3A_7 : vector<1000x128xf32>
    %max3A = arith.constant 0.000000e+00 : f32
    %max3A_8 = vector.broadcast %max3A : f32 to vector<1000x128xf32>
    %max3A_9 = arith.maximumf %add3A, %max3A_8 : vector<1000x128xf32>
    %swap3A = arith.constant 0 : index
    %swap3A_10 = arith.constant 0 : index
    %swap3A_11 = vector.load %arg3[%swap3A, %swap3A_10] : memref<1000x128xf32, #tpu.memory_space<vmem>>, vector<1000x128xf32>
    tpu.vector_store %arg3[%swap3A, %swap3A_10], %max3A_9 {strides = array<i32>} : memref<1000x128xf32, #tpu.memory_space<vmem>>, vector<1000x128xf32>,
    return
  }
  func.func @transform_0(%arg0: i32) -> (i32, i32) {
    %c0_i32 = arith.constant 0 : i32
    %c0_i32_0 = arith.constant 0 : i32
    return %arg0, %c0_i32 : i32, i32
  }
  func.func @transform_1(%arg0: i32) -> (i32, i32) {
    %c0_i32 = arith.constant 0 : i32
    %c0_i32_0 = arith.constant 0 : i32
    %c0_i32_1 = arith.constant 0 : i32
    return %c0_i32, %c0_i32_0 : i32, i32
  }
  func.func @transform_2(%arg0: i32) -> (i32, i32) {
    %c0_i32 = arith.constant 0 : i32
    %c0_i32_0 = arith.constant 0 : i32
    return %arg0, %c0_i32 : i32, i32
  }
}

</mosaic_0001>

<sc_bundles>
// kernel: kernel.5.cloned.1.call-start
scs
__scs_entry_jumppad:
0x0: {  	(pc) =	sbr.rel $0x88, $3  }
0x1: {  	(tag) =	ssettag $0x0;
	lr =	simm.s32 $0x1  }
0x2: {  	[smem:$0x3F9B] =	sst lr;
	_ =	strace $0xD0000000  }
0x3: {  	_ = 	snop  }
0x4: {  	_ = 	snop  }
0x5: {  	_ = 	snop  }
0x6: {  	_ = 	snop  }
0x7: {  	_ = 	snop  }
__scs_overlays_trampoline_lowered:
0x8: {  	[smem:$0x3FAA] =	sst s0  }
0x9: {  	[smem:$0x3FAB] =	sst s1  }
0xa: {  	[smem:$0x3FAC] =	sst s2  }
0xb: {  	[smem:$0x3FAD] =	sst s3  }
0xc: {  	[smem:$0x3FAE] =	sst s4  }
0xd: {  	[smem:$0x3FAF] =	sst s5  }
0xe: {  	[smem:$0x3FB0] =	sst s6  }
0xf: {  	[smem:$0x3FB1] =	sst s7  }
0x10: {  	[smem:$0x3FB2] =	sst s8  }
0x11: {  	[smem:$0x3FB3] =	sst s9;
	s0 =	simm.s32 @!p0 $0x0  }
0x12: {  	s1 =	sld [smem:$0x3F99];
	s0 =	simm.s32 @p0 $0x1  }
0x13: {  	[smem:$0x3FB4] =	sst s0;
	s0 =	simm.s32 @!p1 $0x0  }
0x14: {  	s2 =	sld [smem:$0x3F98];
	s0 =	simm.s32 @p1 $0x1  }
0x15: {  	[smem:$0x3FB5] =	sst s0;
	s0 =	simm.s32 @!p2 $0x0  }
0x16: {  	s3 =	sld [smem:$0x3FDB];
	s0 =	simm.s32 @p2 $0x1  }
0x17: {  	s4 =	simm.s32 $0x1BF5;
	[smem:$0x3FB7] =	sst s0  }
0x18: {  	s0 =	sld [smem:$0x3F9A];
	_ =	swait.ge [sflag:s4], $0x0  }
0x19: {  	s7 =	sld [smem:$0x3F9B]  }
0x1a: {  	s8 =	sadd.s32 $0xFFFFE003, lr  }
0x1b: {  	s9 =	sadd.s32 $0xFFFFFEF7, lr;
	s5 =	simm.s32 $0xFFFFFFFF;
	p2 =	slt.u32 s8, $0xFFFFF086  }
0x1c: {  	p1 =	slt.u32 s9, $0xF7A;
	s5 =	simm.s32 @!p2 $0x0  }
0x1d: {  	s5 =	simm.s32 @p1 $0x1;
	p0 =	seq.s32 s7, s2  }
0x1e: {  	s7 =	smul.u32 @!p0 $0xF7A, s2;
	p2 =	seq.s32 @!p0 s5, $0x0  }
0x1f: {  	s9 =	smul.u32 $0xF7A, s1;
	s8 =	simm.s32 @!p0 $0x1BF5;
	p2 =	por !p2, p0  }
0x20: {  	[sflag:s8] =	ssyncset.s32 @!p0 $0xFFFFF086;
	s6 =	sadd.s32 @!p0 s3, s7;
	s7 =	simm.s32 @!p0 $0x108  }
0x21: {  	s3 =	sadd.s32 s3, s9;
	s6 =	sadd.s32 @!p0 $0x88, s6;
	s7 =	simm.s32 @p2 $0x1082  }
0x22: {  	[simem:s7], [sflag:s8] =	dma.local @!p0 [hbm:s6], $0xF7A  }
0x23: {  	s9 =	sor.u32 $0xD0000000, s2;
	s6 =	simm.s32 $0x108;
	_ =	swait.ge @!p0 [sflag:s8], $0x0  }
0x24: {  	s3 =	sadd.s32 $0x88, s3;
	s6 =	simm.s32 @!p1 $0x1082;
	[sflag:s4] =	ssyncset.s32 $0xFFFFF086  }
0x25: {  	[simem:s6], [sflag:s4] =	dma.local [hbm:s3], $0xF7A  }
0x26: {  	[smem:$0x3F9B] =	sst s1;
	(tag) =	ssettag s2;
	_ =	strace s9  }
0x27: {  	s1 =	sld [smem:$0x3FAB]  }
0x28: {  	s2 =	sld [smem:$0x3FAC]  }
0x29: {  	s4 =	sld [smem:$0x3FAE]  }
0x2a: {  	p0 =	seq.s32 s5, $0x0;
	s5 =	sld [smem:$0x3FAF]  }
0x2b: {  	s6 =	sld [smem:$0x3FB0]  }
0x2c: {  	s7 =	sld [smem:$0x3FB1]  }
0x2d: {  	s3 =	simm.s32 $0x108;
	s8 =	sld [smem:$0x3FB2]  }
0x2e: {  	s3 =	simm.s32 @!p0 $0x1082;
	s9 =	sld [smem:$0x3FB3]  }
0x2f: {  	lr =	sadd.s32 s0, s3;
	s0 =	sld [smem:$0x3FAA]  }
0x30: {  	s3 =	sld [smem:$0x3FAD]  }
0x31: {  	[smem:$0x3FB6] =	sst s10  }
0x32: {  	s10 =	sld [smem:$0x3FB4];
	_ =	sdelay $0x3  }
0x33: {  	p0 =	seq.s32 s10, $0x1;
	s10 =	sld [smem:$0x3FB6];
	_ =	sdelay $0x3  }
0x34: {  	[smem:$0x3FB6] =	sst s10  }
0x35: {  	s10 =	sld [smem:$0x3FB5];
	_ =	sdelay $0x3  }
0x36: {  	p1 =	seq.s32 s10, $0x1;
	s10 =	sld [smem:$0x3FB6];
	_ =	sdelay $0x3  }
0x37: {  	[smem:$0x3FB6] =	sst s10  }
0x38: {  	s10 =	sld [smem:$0x3FB7]  }
0x39: {  	_ = 	snop;
	(pc) =	sbr.ind lr, $3  }
0x3a: {  	_ = 	snop  }
0x3b: {  	_ = 	snop  }
0x3c: {  	p2 =	seq.s32 s10, $0x1;
	s10 =	sld [smem:$0x3FB6]  }
0x3d: {  	_ =	shalt  }
0x3e: {  	_ =	shalt  }
0x3f: {  	_ =	shalt  }
0x40: {  	_ =	shalt  }
0x41: {  	_ =	shalt  }
0x42: {  	_ =	shalt  }
0x43: {  	_ =	shalt  }
0x44: {  	_ =	shalt  }
0x45: {  	_ =	shalt  }
0x46: {  	_ =	shalt  }
0x47: {  	_ =	shalt  }
0x48: {  	_ =	shalt  }
0x49: {  	_ =	shalt  }
0x4a: {  	_ =	shalt  }
0x4b: {  	_ =	shalt  }
0x4c: {  	_ =	shalt  }
0x4d: {  	_ =	shalt  }
0x4e: {  	_ =	shalt  }
0x4f: {  	_ =	shalt  }
0x50: {  	_ =	shalt  }
0x51: {  	_ =	shalt  }
0x52: {  	_ =	shalt  }
0x53: {  	_ =	shalt  }
0x54: {  	_ =	shalt  }
0x55: {  	_ =	shalt  }
0x56: {  	_ =	shalt  }
0x57: {  	_ =	shalt  }
0x58: {  	_ =	shalt  }
0x59: {  	_ =	shalt  }
0x5a: {  	_ =	shalt  }
0x5b: {  	_ =	shalt  }
0x5c: {  	_ =	shalt  }
0x5d: {  	_ =	shalt  }
0x5e: {  	_ =	shalt  }
0x5f: {  	_ =	shalt  }
0x60: {  	_ =	shalt  }
0x61: {  	_ =	shalt  }
0x62: {  	_ =	shalt  }
0x63: {  	_ =	shalt  }
0x64: {  	_ =	shalt  }
0x65: {  	_ =	shalt  }
0x66: {  	_ =	shalt  }
0x67: {  	_ =	shalt  }
0x68: {  	_ =	shalt  }
0x69: {  	_ =	shalt  }
0x6a: {  	_ =	shalt  }
0x6b: {  	_ =	shalt  }
0x6c: {  	_ =	shalt  }
0x6d: {  	_ =	shalt  }
0x6e: {  	_ =	shalt  }
0x6f: {  	_ =	shalt  }
0x70: {  	_ =	shalt  }
0x71: {  	_ =	shalt  }
0x72: {  	_ =	shalt  }
0x73: {  	_ =	shalt  }
0x74: {  	_ =	shalt  }
0x75: {  	_ =	shalt  }
0x76: {  	_ =	shalt  }
0x77: {  	_ =	shalt  }
0x78: {  	_ =	shalt  }
0x79: {  	_ =	shalt  }
0x7a: {  	_ =	shalt  }
0x7b: {  	_ =	shalt  }
0x7c: {  	_ =	shalt  }
0x7d: {  	_ =	shalt  }
0x7e: {  	_ =	shalt  }
0x7f: {  	_ =	shalt  }
0x80: {  	_ =	shalt  }
0x81: {  	_ =	shalt  }
0x82: {  	_ =	shalt  }
0x83: {  	_ =	shalt  }
0x84: {  	_ =	shalt  }
0x85: {  	_ =	shalt  }
0x86: {  	_ =	shalt  }
0x87: {  	_ =	shalt  }
.Lfunc_end0:
.L_simem_size_0:
called_computation_lowered:
.L_overlay_start_0:
0x88: {  	s2 =	sld [smem:$0x3FD9]  }
0x89: {  	s3 =	sld [smem:$0x3FFE];
	_ =	sdelay $0x1  }
0x8a: {  	s1 =	srdreg.scid  }
0x8b: {  	s0 =	sand.u32 $0x1, s1  }
0x8c: {  	s17 =	sshll.u32 s0, $0xA;
	s2 =	sadd.s32 s3, s2  }
0x8d: {  	s2 =	sadd.s32 s2, s17  }
0x8e: {  	[smem:$0x3FC2] =	sst s2  }
0x8f: {  	_ = 	snop  }
0x90: {  	s2 =	sld [smem:$0x3FD0];
	(tm) =	ssettm $0x1  }
0x91: {  	s18 =	sld [smem:$0x3FFB];
	_ =	sdelay $0x3  }
0x92: {  	_ =	strace s18  }
0x93: {  	s3 =	sld [smem:$0x3FFC];
	_ =	sdelay $0x3  }
0x94: {  	_ =	strace s3  }
0x95: {  	s3 =	sld [smem:$0x3FFD];
	_ =	sdelay $0x3  }
0x96: {  	_ =	strace s3  }
0x97: {  	_ =	strace $0x8FFFFFFF  }
0x98: {  	s19 =	sld [smem:$0x3FDB];
	_ =	sdelay $0x1  }
0x99: {  	s4 =	simm.s32 $_scs_section_size  }
0x9a: {  	s5 =	simm.s32 $_size__tile_overlayer_lowered;
	s6 =	simm.s32 $_tile_overlayer_lowered  }
0x9b: {  	s22 =	simm.s32 $0x1BFF;
	s21 =	sshll.u32 s6, $0x1;
	s3 =	sadd.s32 s4, s19  }
0x9c: {  	s7 =	simm.s32 $0x0;
	s20 =	sshll.u32 s5, $0x1;
	s5 =	sadd.s32 s21, s3  }
0x9d: {  	[timem:s7], [sflag:s22] =	dma.local [hbm:s5], s20  }
0x9e: {  	_ =	swait.ge [sflag:s22], s20  }
0x9f: {  	s4 =	ssub.s32 $0x0, s20;
	[sflag:s22] =	ssyncset.done $0x0  }
0xa0: {  	[sflag:s22] =	ssyncadd.s32 s4;
	_ =	sdelay $0x1  }
0xa1: {  	s23 =	simm.s32 $0x1B8B  }
0xa2: {  	_ =	swait.ge [sflag:s23], $0x1  }
0xa3: {  	[sflag:s23] =	ssyncset.done $0x0  }
0xa4: {  	s25 =	simm.s32 $0x1B8E;
	s24 =	sld [smem:$0x3FFE];
	[sflag:s23] =	ssyncadd.s32 $0xFFFFFFFF  }
0xa5: {  	s26 =	simm.s32 $execute0_lowered;
	[smem:$0x3FD2] =	sst s25  }
0xa6: {  	s5 =	sshll.u32 s26, $0x1;
	_ =	strace $0x80000046;
	[dreg:$0x1] =	wrdreg $0xFFFFFFFF  }
0xa7: {  	s28 =	simm.s32 $_size_execute0_lowered;
	s3 =	sadd.s32 s3, s5;
	[dreg:$0x0] =	wrdreg $0x0  }
0xa8: {  	s5 =	sshll.u32 s28, $0x1;
	[dreg:$0x2] =	wrdreg s3  }
0xa9: {  	[dreg:$0x3] =	wrdreg s5  }
0xaa: {  	[dreg:$0x4] =	wrdreg $0xC0  }
0xab: {  	_ =	task [dreg:s7], $0x5FFFF  }
0xac: {  	[dreg:$0x1] =	wrdreg $0xFFFFFFFF  }
0xad: {  	[dreg:$0x0] =	wrdreg $0x60  }
0xae: {  	[dreg:$0x2] =	wrdreg s2  }
0xaf: {  	[dreg:$0x3] =	wrdreg s24  }
0xb0: {  	[dreg:$0x4] =	wrdreg $0xB0000  }
0xb1: {  	[dreg:$0x5] =	wrdreg $0x9  }
0xb2: {  	_ =	task.clear_ibuf [dreg:s7], $0x6FFFF;
	_ =	strace $0x90000046  }
0xb3: {  	s29 =	simm.s32 $0x9;
	_ =	strace $0x80000048  }
0xb4: {  	_ =	swait.ge [sflag:s29], $0x1  }
0xb5: {  	[sflag:s29] =	ssyncadd.s32 $0xFFFFFFFF  }
0xb6: {  	_ =	strace $0x90000048  }
0xb7: {  	_ =	sfence  }
0xb8: {  	s30 =	sld [smem:$0x0];
	_ =	sdelay $0x2  }
0xb9: {  	s31 =	sshll.u32 s1, $0xD;
	s1 =	sshrl.u32 s1, $0x2  }
0xba: {  	s3 =	sand.u32 $0x4000, s31;
	s1 =	sadd.s32 s1, s30  }
0xbb: {  	s0 =	sor.u32 s3, s0;
	s1 =	sshll.u32 s1, $0x11  }
0xbc: {  	s0 =	sor.u32 s1, s0  }
0xbd: {  	s0 =	sadd.s32 $0x8F2B, s0  }
0xbe: {  	[sflag:s0] =	ssyncadd.remote.s32 $0x1  }
0xbf: {  	_ =	sfence.sel $0xFFFF  }
0xc0: {  	[dreg:$0x0] =	wrdreg $0xFFFFFFFF;
	(pc) =	sbr.abs _section_cstart, $3  }
0xc1: {  	[dreg:$0x1] =	wrdreg $0xFFFFFFFF  }
0xc2: {  	_ =	task.clear_ibuf [dreg:s7], $0x2FFFF;
	_ =	strace $0x9FFFFFFF  }
0xc3: {  	(tm) =	ssettm $0x7FFFFFFF  }
tec
execute0_lowered:
.L_overlay_start_1:
0x0: {  	(tag) =	ssettag $0x1  }
0x1: {  	s0 =	srdreg.scid  }
0x2: {  	s3 =	sand.u32 $0x1, s0  }
0x3: {  	s11 =	stileid.u32;
	s0 =	sshll.u32 s3, $0x4  }
0x4: {  	s0 =	sor.u32 s11, s0  }
0x5: {  	s5 =	rddreg [dreg:$0x1];
	s1 =	simm.s32 $0x0;
	s2 =	smul.u32 $0x2710, s0  }
0x6: {  	[smem:$0x7FF] =	sst s1;
	s4 =	sadd.s32 $0xC00, s5;
	s25 =	smul.u32 $0x2800, s11  }
0x7: {  	s6 =	ssub.s32 $0x2, s3;
	p0 =	seq.s32 s3, $0x1;
	s8 =	sshrl.u32 s2, $0x3  }
0x8: {  	s7 =	sshrl.u32 s6, $0x1;
	s0 =	sadd.s32 $0xAA00, s5;
	s10 =	sadd.s32 $0xA, s8  }
0x9: {  	s2 =	ssub.s32 s6, s7;
	s7 =	simm.s32 $0x3C800;
	s12 =	sadd.s32 s0, s10  }
0xa: {  	s13 =	sadd.s32 $0x14, s8;
	s6 =	sadd.s32 s4, s10;
	[dreg:$0x4] =	wrdreg s12  }
0xb: {  	s15 =	sadd.s32 $0x1E, s8;
	s14 =	sadd.s32 s0, s13;
	[dreg:$0x5] =	wrdreg s6  }
0xc: {  	s17 =	sadd.s32 $0x28, s8;
	s16 =	sadd.s32 s0, s15;
	[dreg:$0x6] =	wrdreg s14  }
0xd: {  	s19 =	sadd.s32 $0x32, s8;
	s18 =	sadd.s32 s0, s17;
	[dreg:$0x8] =	wrdreg s16  }
0xe: {  	s21 =	sadd.s32 $0x3C, s8;
	s20 =	sadd.s32 s0, s19;
	[dreg:$0xa] =	wrdreg s18  }
0xf: {  	s23 =	sadd.s32 $0x46, s8;
	s22 =	sadd.s32 s0, s21;
	[dreg:$0xc] =	wrdreg s20  }
0x10: {  	s9 =	sadd.s32 $0x50, s8;
	s24 =	sadd.s32 s0, s23;
	[dreg:$0xe] =	wrdreg s22  }
0x11: {  	s7 =	simm.s32 @!p0 $0x14800;
	s26 =	sadd.s32 s0, s9;
	[dreg:$0x10] =	wrdreg s24  }
0x12: {  	s29 =	sadd.s32 $0x5A, s8;
	s28 =	sadd.s32 s4, s9;
	[dreg:$0x12] =	wrdreg s26  }
0x13: {  	s31 =	sadd.s32 $0x64, s8;
	s30 =	sadd.s32 s0, s29;
	[dreg:$0x13] =	wrdreg s28  }
0x14: {  	s5 =	sadd.s32 s7, s5;
	s7 =	sadd.s32 s0, s31;
	[dreg:$0x15] =	wrdreg s30  }
0x15: {  	s6 =	sadd.s32 s4, s13;
	[dreg:$0x17] =	wrdreg s7  }
0x16: {  	s3 =	smul.u32 $0x27100, s3;
	s5 =	sadd.s32 s5, s25;
	[dreg:$0x7] =	wrdreg s6  }
0x17: {  	s10 =	smul.u32 $0x2710, s11;
	s18 =	sadd.s32 s0, s8;
	[dreg:$0x14] =	wrdreg s5  }
0x18: {  	s9 =	sadd.s32 $0x6E, s8;
	s6 =	sadd.s32 s4, s15;
	[smem:$0x7F4] =	sst s18  }
0x19: {  	s12 =	sadd.s32 $0x78, s8;
	s5 =	sadd.s32 s4, s29;
	[dreg:$0x9] =	wrdreg s6  }
0x1a: {  	s3 =	sadd.s32 s10, s3;
	s10 =	sadd.s32 s0, s9;
	[dreg:$0x16] =	wrdreg s5  }
0x1b: {  	s14 =	sadd.s32 $0x82, s8;
	s13 =	sadd.s32 s0, s12;
	[dreg:$0x19] =	wrdreg s10  }
0x1c: {  	s20 =	sadd.s32 $0x96, s8;
	s15 =	sadd.s32 s0, s14;
	[dreg:$0x1b] =	wrdreg s13  }
0x1d: {  	s22 =	sadd.s32 s0, s20;
	[dreg:$0x1d] =	wrdreg s15  }
0x1e: {  	s6 =	sadd.s32 s4, s17;
	[smem:$0x7F6] =	sst s22  }
0x1f: {  	s16 =	sadd.s32 $0x8C, s8;
	s5 =	sadd.s32 s4, s31;
	[dreg:$0xb] =	wrdreg s6  }
0x20: {  	s17 =	sadd.s32 s0, s16;
	[dreg:$0x18] =	wrdreg s5  }
0x21: {  	s6 =	sadd.s32 s4, s19;
	[dreg:$0x1f] =	wrdreg s17  }
0x22: {  	s5 =	sadd.s32 s4, s9;
	[dreg:$0xd] =	wrdreg s6  }
0x23: {  	s19 =	sadd.s32 s4, s8;
	[dreg:$0x1a] =	wrdreg s5  }
0x24: {  	[smem:$0x7F5] =	sst s19  }
0x25: {  	s6 =	sadd.s32 s4, s21;
	s21 =	sadd.s32 $0x500, s3;
	s3 =	rddreg [dreg:$0x0]  }
0x26: {  	s25 =	smax.u32 s2, $0x1;
	s5 =	sadd.s32 s4, s12;
	[dreg:$0xf] =	wrdreg s6  }
0x27: {  	s22 =	simm.s32 $0x3;
	s6 =	sadd.s32 s4, s23;
	[dreg:$0x1c] =	wrdreg s5  }
0x28: {  	s19 =	simm.s32 $0x100;
	s5 =	sadd.s32 s4, s14;
	[dreg:$0x11] =	wrdreg s6  }
0x29: {  	s23 =	smul.u32 $0x50000, s11;
	s24 =	sshrl.u32 s21, $0x3;
	[dreg:$0x1e] =	wrdreg s5  }
0x2a: {  	s21 =	simm.s32 $0x1000;
	s5 =	sadd.s32 s4, s16;
	s6 =	rddreg [dreg:$0x2]  }
0x2b: {  	s11 =	sadd.s32 s24, s4;
	[smem:$0x7F3] =	sst s5;
	s5 =	sadd.s32 s4, s20  }
0x2c: {  	s7 =	sshrl.u32 s23, $0x2;
	s4 =	simm.s32 $0x80;
	s20 =	simm.s32 $0x180  }
0x2d: {  	s23 =	simm.s32 $0x1;
	[smem:$0x7F7] =	sst s5;
	s9 =	sadd.s32 s7, s6  }
0x2e: {  	_ =	strace $0x80000047;
	[smem:$0x7F8] =	sst s25;
	s26 =	sadd.s32 $0x2800, s9  }
0x2f: {  	s5 =	sadd.s32 s24, s0;
	s28 =	sadd.s32 $0x5000, s9;
	[smem:$0x7F9] =	sst s26  }
0x30: {  	s24 =	simm.s32 $0x50;
	s29 =	sadd.s32 $0x7800, s9;
	[smem:$0x7FA] =	sst s28  }
0x31: {  	s30 =	sadd.s32 $0xA000, s9;
	s31 =	sadd.s32 $0xC800, s9;
	[smem:$0x7FB] =	sst s29  }
0x32: {  	s16 =	sadd.s32 $0xF000, s9;
	s17 =	sadd.s32 $0x11800, s9;
	[smem:$0x7FC] =	sst s30  }
0x33: {  	v0 =	vimm.f32 $0.0e+00;
	s25 =	simm.s32 $0x2;
	[smem:$0x7FD] =	sst s31;
	s26 =	simm.s32 $0x0  }
.LBB2_1:
0x34: {  	s0 =	sld [smem:$0x7F4];
	_ =	sdelay $0x1  }
0x35: {  	s10 =	sld [smem:$0x7F5]  }
0x36: {  	[tilespmem:s1], [sflag:$0x1] =	stream.linear.gather [hbm4b:s0+s1], $0x50, $0x38;
	[tilespmem:$0x1F000] =	vst v63  }
0x37: {  	s2 =	simm.s32 $0x800;
	s12 =	rddreg [dreg:$0x4]  }
0x38: {  	[tilespmem:s2], [sflag:$0x1] =	stream.linear.gather [hbm4b:s10+s1], $0x50, $0x38;
	[tilespmem:$0x1F000] =	vst v63  }
0x39: {  	s13 =	rddreg [dreg:$0x5]  }
0x3a: {  	[tilespmem:s4], [sflag:$0x1] =	stream.linear.gather [hbm4b:s12+s1], $0x50, $0x38;
	[tilespmem:$0x1F000] =	vst v63  }
0x3b: {  	s14 =	simm.s32 $0x880;
	s15 =	rddreg [dreg:$0x6]  }
0x3c: {  	[tilespmem:s14], [sflag:$0x1] =	stream.linear.gather [hbm4b:s13+s1], $0x50, $0x38;
	[tilespmem:$0x1F000] =	vst v63  }
0x3d: {  	s18 =	rddreg [dreg:$0x7]  }
0x3e: {  	[tilespmem:s19], [sflag:$0x1] =	stream.linear.gather [hbm4b:s15+s1], $0x50, $0x38;
	[tilespmem:$0x1F000] =	vst v63  }
0x3f: {  	s28 =	simm.s32 $0x900;
	s29 =	rddreg [dreg:$0x8]  }
0x40: {  	[tilespmem:s28], [sflag:$0x1] =	stream.linear.gather [hbm4b:s18+s1], $0x50, $0x38;
	[tilespmem:$0x1F000] =	vst v63  }
0x41: {  	s30 =	rddreg [dreg:$0x9]  }
0x42: {  	[tilespmem:s20], [sflag:$0x1] =	stream.linear.gather [hbm4b:s29+s1], $0x50, $0x38;
	[tilespmem:$0x1F000] =	vst v63  }
0x43: {  	s31 =	simm.s32 $0x980;
	s7 =	rddreg [dreg:$0xa]  }
0x44: {  	[tilespmem:s31], [sflag:$0x1] =	stream.linear.gather [hbm4b:s30+s1], $0x50, $0x38;
	[tilespmem:$0x1F000] =	vst v63  }
0x45: {  	s8 =	simm.s32 $0x200;
	s10 =	rddreg [dreg:$0xb]  }
0x46: {  	[tilespmem:s8], [sflag:$0x1] =	stream.linear.gather [hbm4b:s7+s1], $0x50, $0x38;
	[tilespmem:$0x1F000] =	vst v63  }
0x47: {  	s12 =	simm.s32 $0xA00;
	s13 =	rddreg [dreg:$0xc]  }
0x48: {  	[tilespmem:s12], [sflag:$0x1] =	stream.linear.gather [hbm4b:s10+s1], $0x50, $0x38;
	[tilespmem:$0x1F000] =	vst v63  }
0x49: {  	s14 =	simm.s32 $0x280;
	s15 =	rddreg [dreg:$0xd]  }
0x4a: {  	[tilespmem:s14], [sflag:$0x1] =	stream.linear.gather [hbm4b:s13+s1], $0x50, $0x38;
	[tilespmem:$0x1F000] =	vst v63  }
0x4b: {  	s18 =	simm.s32 $0xA80;
	s28 =	rddreg [dreg:$0xe]  }
0x4c: {  	[tilespmem:s18], [sflag:$0x1] =	stream.linear.gather [hbm4b:s15+s1], $0x50, $0x38;
	[tilespmem:$0x1F000] =	vst v63  }
0x4d: {  	s29 =	simm.s32 $0x300;
	s30 =	rddreg [dreg:$0xf]  }
0x4e: {  	[tilespmem:s29], [sflag:$0x1] =	stream.linear.gather [hbm4b:s28+s1], $0x50, $0x38;
	[tilespmem:$0x1F000] =	vst v63  }
0x4f: {  	s31 =	simm.s32 $0xB00;
	s7 =	rddreg [dreg:$0x10]  }
0x50: {  	[tilespmem:s31], [sflag:$0x1] =	stream.linear.gather [hbm4b:s30+s1], $0x50, $0x38;
	[tilespmem:$0x1F000] =	vst v63  }
0x51: {  	s8 =	simm.s32 $0x380;
	s10 =	rddreg [dreg:$0x11]  }
0x52: {  	[tilespmem:s8], [sflag:$0x1] =	stream.linear.gather [hbm4b:s7+s1], $0x50, $0x38;
	[tilespmem:$0x1F000] =	vst v63  }
0x53: {  	s12 =	simm.s32 $0xB80;
	s13 =	rddreg [dreg:$0x12]  }
0x54: {  	[tilespmem:s12], [sflag:$0x1] =	stream.linear.gather [hbm4b:s10+s1], $0x50, $0x38;
	[tilespmem:$0x1F000] =	vst v63  }
0x55: {  	s14 =	simm.s32 $0x400;
	s15 =	rddreg [dreg:$0x13]  }
0x56: {  	[tilespmem:s14], [sflag:$0x1] =	stream.linear.gather [hbm4b:s13+s1], $0x50, $0x38;
	[tilespmem:$0x1F000] =	vst v63  }
0x57: {  	s18 =	simm.s32 $0xC00;
	s28 =	rddreg [dreg:$0x15]  }
0x58: {  	[tilespmem:s18], [sflag:$0x1] =	stream.linear.gather [hbm4b:s15+s1], $0x50, $0x38;
	[tilespmem:$0x1F000] =	vst v63  }
0x59: {  	s29 =	simm.s32 $0x480;
	s30 =	rddreg [dreg:$0x16]  }
0x5a: {  	[tilespmem:s29], [sflag:$0x1] =	stream.linear.gather [hbm4b:s28+s1], $0x50, $0x38;
	[tilespmem:$0x1F000] =	vst v63  }
0x5b: {  	s31 =	simm.s32 $0xC80;
	s7 =	rddreg [dreg:$0x17]  }
0x5c: {  	[tilespmem:s31], [sflag:$0x1] =	stream.linear.gather [hbm4b:s30+s1], $0x50, $0x38;
	[tilespmem:$0x1F000] =	vst v63  }
0x5d: {  	s8 =	simm.s32 $0x500;
	s10 =	rddreg [dreg:$0x18]  }
0x5e: {  	[tilespmem:s8], [sflag:$0x1] =	stream.linear.gather [hbm4b:s7+s1], $0x50, $0x38;
	[tilespmem:$0x1F000] =	vst v63  }
0x5f: {  	s12 =	simm.s32 $0xD00;
	s13 =	rddreg [dreg:$0x19]  }
0x60: {  	[tilespmem:s12], [sflag:$0x1] =	stream.linear.gather [hbm4b:s10+s1], $0x50, $0x38;
	[tilespmem:$0x1F000] =	vst v63  }
0x61: {  	s14 =	simm.s32 $0x580;
	s15 =	rddreg [dreg:$0x1a]  }
0x62: {  	[tilespmem:s14], [sflag:$0x1] =	stream.linear.gather [hbm4b:s13+s1], $0x50, $0x38;
	[tilespmem:$0x1F000] =	vst v63  }
0x63: {  	s18 =	simm.s32 $0xD80;
	s28 =	rddreg [dreg:$0x1b]  }
0x64: {  	[tilespmem:s18], [sflag:$0x1] =	stream.linear.gather [hbm4b:s15+s1], $0x50, $0x38;
	[tilespmem:$0x1F000] =	vst v63  }
0x65: {  	s29 =	simm.s32 $0x600;
	s30 =	rddreg [dreg:$0x1c]  }
0x66: {  	[tilespmem:s29], [sflag:$0x1] =	stream.linear.gather [hbm4b:s28+s1], $0x50, $0x38;
	[tilespmem:$0x1F000] =	vst v63  }
0x67: {  	s31 =	simm.s32 $0xE00;
	s7 =	rddreg [dreg:$0x1d]  }
0x68: {  	[tilespmem:s31], [sflag:$0x1] =	stream.linear.gather [hbm4b:s30+s1], $0x50, $0x38;
	[tilespmem:$0x1F000] =	vst v63  }
0x69: {  	s8 =	simm.s32 $0x680;
	s10 =	rddreg [dreg:$0x1e]  }
0x6a: {  	[tilespmem:s8], [sflag:$0x1] =	stream.linear.gather [hbm4b:s7+s1], $0x50, $0x38;
	[tilespmem:$0x1F000] =	vst v63  }
0x6b: {  	s12 =	simm.s32 $0xE80;
	s13 =	rddreg [dreg:$0x1f]  }
0x6c: {  	[tilespmem:s12], [sflag:$0x1] =	stream.linear.gather [hbm4b:s10+s1], $0x50, $0x38;
	[tilespmem:$0x1F000] =	vst v63  }
0x6d: {  	s14 =	simm.s32 $0x700;
	s15 =	sld [smem:$0x7F3]  }
0x6e: {  	[tilespmem:s14], [sflag:$0x1] =	stream.linear.gather [hbm4b:s13+s1], $0x50, $0x38;
	[tilespmem:$0x1F000] =	vst v63  }
0x6f: {  	s18 =	simm.s32 $0xF00;
	s28 =	sld [smem:$0x7F6]  }
0x70: {  	[tilespmem:s18], [sflag:$0x1] =	stream.linear.gather [hbm4b:s15+s1], $0x50, $0x38;
	[tilespmem:$0x1F000] =	vst v63  }
0x71: {  	s29 =	simm.s32 $0x780;
	s30 =	sld [smem:$0x7F7]  }
0x72: {  	[tilespmem:s29], [sflag:$0x1] =	stream.linear.gather [hbm4b:s28+s1], $0x50, $0x38;
	[tilespmem:$0x1F000] =	vst v63  }
0x73: {  	s0 =	simm.s32 $0x0;
	s2 =	simm.s32 $0x200;
	s31 =	simm.s32 $0xF80  }
0x74: {  	[tilespmem:s31], [sflag:$0x1] =	stream.linear.gather [hbm4b:s30+s1], $0x50, $0x38;
	[tilespmem:$0x1F000] =	vst v63  }
.LBB2_2:
0x75: {  	p0 =	sne.s32 s2, $0x9E00;
	[tilespmem:s0+$0x1070] =	vst v0  }
0x76: {  	[tilespmem:s0+$0x1000] =	vst v0  }
0x77: {  	[tilespmem:s0+$0x1010] =	vst v0  }
.Ltmp0:
0x78: {  	[tilespmem:s0+$0x1020] =	vst v0;
	(pc) =	sbr.rel @p0 .LBB2_2-.Ltmp0, $4  }
0x79: {  	[tilespmem:s0+$0x1030] =	vst v0  }
0x7a: {  	[tilespmem:s0+$0x1040] =	vst v0  }
0x7b: {  	[tilespmem:s0+$0x1050] =	vst v0  }
0x7c: {  	[tilespmem:s0+$0x1060] =	vst v0;
	s0 =	sshra.s32 s2, $0x2;
	s2 =	sadd.s32 $0x200, s2  }
0x7d: {  	[tilespmem:s0+$0x1070] =	vst v0  }
0x7e: {  	[tilespmem:s0+$0x1000] =	vst v0  }
0x7f: {  	[tilespmem:s0+$0x1010] =	vst v0  }
0x80: {  	[tilespmem:s0+$0x1020] =	vst v0  }
0x81: {  	[tilespmem:s0+$0x1030] =	vst v0  }
0x82: {  	[tilespmem:s0+$0x1040] =	vst v0  }
0x83: {  	[tilespmem:s0+$0x1050] =	vst v0  }
0x84: {  	[tilespmem:s0+$0x1060] =	vst v0  }
0x85: {  	[spmem:s9] =	stream.linear.scatter [tilespmem:s21], [sflag:$0x3], $0x2800, $0x38;
	[tilespmem:$0x1F000] =	vst v63  }
0x86: {  	_ =	swait.ge [sflag:s22], $0x2800  }
0x87: {  	s15 =	sld [smem:$0x7F9]  }
0x88: {  	[sflag:s22] =	ssyncset.done $0x0  }
0x89: {  	[sflag:s22] =	ssyncadd.s32 $0xFFFFD800  }
0x8a: {  	[spmem:s15] =	stream.linear.scatter [tilespmem:s21], [sflag:$0x3], $0x2800, $0x38;
	[tilespmem:$0x1F000] =	vst v63  }
0x8b: {  	_ =	swait.ge [sflag:s22], $0x2800  }
0x8c: {  	s18 =	sld [smem:$0x7FA]  }
0x8d: {  	[sflag:s22] =	ssyncset.done $0x0  }
0x8e: {  	[sflag:s22] =	ssyncadd.s32 $0xFFFFD800  }
0x8f: {  	[spmem:s18] =	stream.linear.scatter [tilespmem:s21], [sflag:$0x3], $0x2800, $0x38;
	[tilespmem:$0x1F000] =	vst v63  }
0x90: {  	_ =	swait.ge [sflag:s22], $0x2800  }
0x91: {  	s2 =	sld [smem:$0x7FB]  }
0x92: {  	[sflag:s22] =	ssyncset.done $0x0  }
0x93: {  	[sflag:s22] =	ssyncadd.s32 $0xFFFFD800  }
0x94: {  	[spmem:s2] =	stream.linear.scatter [tilespmem:s21], [sflag:$0x3], $0x2800, $0x38;
	[tilespmem:$0x1F000] =	vst v63  }
0x95: {  	_ =	swait.ge [sflag:s22], $0x2800  }
0x96: {  	s7 =	sld [smem:$0x7FC]  }
0x97: {  	[sflag:s22] =	ssyncset.done $0x0  }
0x98: {  	[sflag:s22] =	ssyncadd.s32 $0xFFFFD800  }
0x99: {  	[spmem:s7] =	stream.linear.scatter [tilespmem:s21], [sflag:$0x3], $0x2800, $0x38;
	[tilespmem:$0x1F000] =	vst v63  }
0x9a: {  	_ =	swait.ge [sflag:s22], $0x2800  }
0x9b: {  	s8 =	sld [smem:$0x7FD]  }
0x9c: {  	[sflag:s22] =	ssyncset.done $0x0  }
0x9d: {  	[sflag:s22] =	ssyncadd.s32 $0xFFFFD800  }
0x9e: {  	[spmem:s8] =	stream.linear.scatter [tilespmem:s21], [sflag:$0x3], $0x2800, $0x38;
	[tilespmem:$0x1F000] =	vst v63  }
0x9f: {  	_ =	swait.ge [sflag:s22], $0x2800  }
0xa0: {  	[sflag:s22] =	ssyncset.done $0x0  }
0xa1: {  	[sflag:s22] =	ssyncadd.s32 $0xFFFFD800  }
0xa2: {  	[spmem:s16] =	stream.linear.scatter [tilespmem:s21], [sflag:$0x3], $0x2800, $0x38;
	[tilespmem:$0x1F000] =	vst v63  }
0xa3: {  	_ =	swait.ge [sflag:s22], $0x2800  }
0xa4: {  	[sflag:s22] =	ssyncset.done $0x0  }
0xa5: {  	[sflag:s22] =	ssyncadd.s32 $0xFFFFD800  }
0xa6: {  	[spmem:s17] =	stream.linear.scatter [tilespmem:s21], [sflag:$0x3], $0x2800, $0x38;
	[tilespmem:$0x1F000] =	vst v63  }
0xa7: {  	_ =	swait.ge [sflag:s22], $0x2800  }
0xa8: {  	[sflag:s22] =	ssyncset.done $0x0  }
0xa9: {  	[sflag:s22] =	ssyncadd.s32 $0xFFFFD800  }
0xaa: {  	[bflag:$0x0] =	sbarrier.arrive $0xFFFF  }
0xab: {  	_ =	swait.ge [sflag:s23], $0x50  }
0xac: {  	[sflag:s23] =	ssyncset.done $0x0  }
0xad: {  	[sflag:s23] =	ssyncadd.s32 $0xFFFFFFB0  }
0xae: {  	_ =	swait.ge [sflag:s23], $0x50  }
0xaf: {  	[sflag:s23] =	ssyncset.done $0x0  }
0xb0: {  	s0 =	simm.s32 $0x0;
	[sflag:s23] =	ssyncadd.s32 $0xFFFFFFB0  }
0xb1: {  	[tilespmem:s21], [sflag:$0x2] =	stream.indirect.gather [hbm4b:s3+s24], $0x80, s0, s24, $0xb8;
	[tilespmem:$0x1F000] =	vst v63  }
0xb2: {  	_ =	swait.ge [sflag:s23], $0x50  }
0xb3: {  	[sflag:s23] =	ssyncset.done $0x0  }
0xb4: {  	[sflag:s23] =	ssyncadd.s32 $0xFFFFFFB0  }
0xb5: {  	_ =	swait.ge [sflag:s23], $0x50  }
0xb6: {  	[sflag:s23] =	ssyncset.done $0x0  }
0xb7: {  	s2 =	simm.s32 $0x3800;
	[sflag:s23] =	ssyncadd.s32 $0xFFFFFFB0  }
0xb8: {  	[tilespmem:s2], [sflag:$0x2] =	stream.indirect.gather [hbm4b:s3+s24], $0x80, s4, s24, $0xb8;
	[tilespmem:$0x1F000] =	vst v63  }
0xb9: {  	_ =	swait.ge [sflag:s23], $0x50  }
0xba: {  	[sflag:s23] =	ssyncset.done $0x0  }
0xbb: {  	[sflag:s23] =	ssyncadd.s32 $0xFFFFFFB0  }
0xbc: {  	_ =	swait.ge [sflag:s23], $0x50  }
0xbd: {  	[sflag:s23] =	ssyncset.done $0x0  }
0xbe: {  	s10 =	simm.s32 $0x6000;
	[sflag:s23] =	ssyncadd.s32 $0xFFFFFFB0  }
0xbf: {  	[tilespmem:s10], [sflag:$0x2] =	stream.indirect.gather [hbm4b:s3+s24], $0x80, s19, s24, $0xb8;
	[tilespmem:$0x1F000] =	vst v63  }
0xc0: {  	_ =	swait.ge [sflag:s23], $0x50  }
0xc1: {  	[sflag:s23] =	ssyncset.done $0x0  }
0xc2: {  	[sflag:s23] =	ssyncadd.s32 $0xFFFFFFB0  }
0xc3: {  	s12 =	simm.s32 $0x8800;
	_ =	swait.ge [sflag:s23], $0x50  }
0xc4: {  	s14 =	simm.s32 $0x0;
	s13 =	sand.u32 $0x3, s0;
	[sflag:s23] =	ssyncset.done $0x0  }
0xc5: {  	s28 =	simm.s32 $0x1;
	s2 =	smul.u32 $0xA000, s13;
	[sflag:s23] =	ssyncadd.s32 $0xFFFFFFB0  }
0xc6: {  	[tilespmem:s12], [sflag:$0x2] =	stream.indirect.gather [hbm4b:s3+s24], $0x80, s20, s24, $0xb8;
	[tilespmem:$0x1F000] =	vst v63  }
0xc7: {  	p0 =	por $0x0, $0x0;
	s4 =	sand.u32 $0x1E00, s14;
	_ =	swait.ge [sflag:s25], $0x2800  }
0xc8: {  	s4 =	sshrl.u32 s4, $0x2;
	s2 =	sshrl.u32 s2, $0x2;
	[sflag:s25] =	ssyncset.done $0x0  }
0xc9: {  	s7 =	sor.u32 $0x800, s4;
	s4 =	sadd.s32 $0x1000, s2;
	[sflag:s25] =	ssyncadd.s32 $0xFFFFD800  }
0xca: {  	[spmem:s6] =	stream.indirect.scatter.add.f32 [tilespmem:s4], [sflag:$0x3], $0x80, s7, s24, $0xb8;
	[tilespmem:$0x1F000] =	vst v63  }
0xcb: {  	s29 =	sadd.s32 $0xA, s5;
	s30 =	sadd.s32 $0xA, s11;
	_ =	swait.ge [sflag:s22], $0x2800  }
0xcc: {  	s31 =	simm.s32 $0x80;
	p1 =	por @!p0 $0x0, $0x0;
	[sflag:s22] =	ssyncset.done $0x0  }
0xcd: {  	p2 =	por p1, p0;
	s8 =	simm.s32 @!p0 $0x1;
	[sflag:s22] =	ssyncadd.s32 $0xFFFFD800  }
0xce: {  	s15 =	sand.u32 $0x3, s28;
	s18 =	simm.s32 @!p0 $0x50;
	_ =	swait.ge @!p0 [sflag:s8], $0x50  }
0xcf: {  	s14 =	sand.u32 @!p2 $0x780, s0;
	s0 =	simm.s32 $0xA00;
	[sflag:s8] =	ssyncset.done @!p0 $0x0  }
0xd0: {  	s13 =	sor.u32 @!p2 $0x800, s14;
	s7 =	simm.s32 $0x800;
	[sflag:s8] =	ssyncadd.s32 @!p0 $0xFFFFFFB0  }
0xd1: {  	s2 =	simm.s32 $0x2;
	s7 =	sand.u32 @!p0 $0x1E00, s7;
	_ =	swait.ge @!p0 [sflag:s8], $0x50  }
0xd2: {  	s12 =	smul.u32 $0xA000, s15;
	s10 =	sshrl.u32 @!p0 s7, $0x2;
	[sflag:s8] =	ssyncset.done @!p0 $0x0  }
0xd3: {  	s7 =	smov.u32 s11;
	[sflag:s8] =	ssyncadd.s32 @!p0 $0xFFFFFFB0;
	s8 =	smov.u32 s5  }
.LBB2_4:
0xd4: {  	[tilespmem:s4], [sflag:$0x2] =	stream.indirect.gather @!p0 [hbm4b:s3+s18], $0x80, s10, s18, $0xb8;
	[tilespmem:$0x1F000] =	vst v63  }
0xd5: {  	s18 =	smov.u32 s2  }
0xd6: {  	s2 =	sadd.s32 $0x1, s2;
	s4 =	sadd.s32 $0xFFFFF800, s0;
	s10 =	simm.s32 @!p2 $0x0  }
0xd7: {  	[tilespmem:s14], [sflag:$0x1] =	stream.linear.gather @!p2 [hbm4b:s8+s10], $0x50, $0x38;
	[tilespmem:$0x1F000] =	vst v63  }
0xd8: {  	p1 =	sne.s32 s2, $0x7D;
	s4 =	sand.u32 $0x1E00, s4;
	s8 =	smov.u32 s29  }
0xd9: {  	[tilespmem:s13], [sflag:$0x1] =	stream.linear.gather @!p2 [hbm4b:s7+s10], $0x50, $0x38;
	[tilespmem:$0x1F000] =	vst v63  }
0xda: {  	p0 =	sgt.u32 s28, $0x78;
	s4 =	sshrl.u32 s4, $0x2;
	_ =	swait.ge [sflag:s25], $0x2800  }
0xdb: {  	s7 =	sshrl.u32 s12, $0x2;
	s10 =	sor.u32 $0x800, s4;
	[sflag:s25] =	ssyncset.done $0x0  }
0xdc: {  	s4 =	sadd.s32 $0x1000, s7;
	s7 =	sand.u32 @!p0 $0x1E00, s0;
	[sflag:s25] =	ssyncadd.s32 $0xFFFFD800  }
0xdd: {  	[spmem:s6] =	stream.indirect.scatter.add.f32 [tilespmem:s4], [sflag:$0x3], $0x80, s10, s24, $0xb8;
	[tilespmem:$0x1F000] =	vst v63  }
0xde: {  	p2 =	sgt.u32 @!p0 s28, $0x6C;
	s10 =	sshrl.u32 @!p0 s7, $0x2;
	_ =	swait.ge [sflag:s22], $0x2800  }
0xdf: {  	s28 =	smov.u32 s18;
	s7 =	smov.u32 s30;
	[sflag:s22] =	ssyncset.done $0x0  }
0xe0: {  	s15 =	simm.s32 @!p0 $0x1;
	[sflag:s22] =	ssyncadd.s32 $0xFFFFD800  }
0xe1: {  	s29 =	sadd.s32 $0xA, s29;
	_ =	swait.ge @!p0 [sflag:s15], $0x50  }
.Ltmp1:
0xe2: {  	s30 =	sadd.s32 $0xA, s30;
	[sflag:s15] =	ssyncset.done @!p0 $0x0;
	(pc) =	sbr.rel @p1 .LBB2_4-.Ltmp1, $4  }
0xe3: {  	s18 =	simm.s32 @!p0 $0x50;
	p2 =	por p2, p0;
	[sflag:s15] =	ssyncadd.s32 @!p0 $0xFFFFFFB0  }
0xe4: {  	s12 =	sand.u32 $0x3, s28;
	s14 =	sand.u32 @!p2 $0x780, s31;
	_ =	swait.ge @!p0 [sflag:s15], $0x50  }
0xe5: {  	s12 =	smul.u32 $0xA000, s12;
	s13 =	sor.u32 @!p2 $0x800, s14;
	[sflag:s15] =	ssyncset.done @!p0 $0x0  }
0xe6: {  	s0 =	sadd.s32 $0x200, s0;
	s31 =	sadd.s32 $0x80, s31;
	[sflag:s15] =	ssyncadd.s32 @!p0 $0xFFFFFFB0  }
0xe7: {  	[tilespmem:s4], [sflag:$0x2] =	stream.indirect.gather @!p0 [hbm4b:s3+s18], $0x80, s10, s18, $0xb8;
	[tilespmem:$0x1F000] =	vst v63  }
0xe8: {  	s2 =	simm.s32 @!p2 $0x0  }
0xe9: {  	[tilespmem:s14], [sflag:$0x1] =	stream.linear.gather @!p2 [hbm4b:s8+s2], $0x50, $0x38;
	[tilespmem:$0x1F000] =	vst v63  }
0xea: {  	s14 =	sadd.s32 $0xFFFFF800, s0  }
0xeb: {  	[tilespmem:s13], [sflag:$0x1] =	stream.linear.gather @!p2 [hbm4b:s7+s2], $0x50, $0x38;
	[tilespmem:$0x1F000] =	vst v63  }
0xec: {  	s15 =	sand.u32 $0x1E00, s14;
	_ =	swait.ge [sflag:s25], $0x2800  }
0xed: {  	s18 =	sshrl.u32 s12, $0x2;
	s2 =	sshrl.u32 s15, $0x2;
	[sflag:s25] =	ssyncset.done $0x0  }
0xee: {  	s4 =	sadd.s32 $0x1000, s18;
	s2 =	sor.u32 $0x800, s2;
	[sflag:s25] =	ssyncadd.s32 $0xFFFFD800  }
0xef: {  	[spmem:s6] =	stream.indirect.scatter.add.f32 [tilespmem:s4], [sflag:$0x3], $0x80, s2, s24, $0xb8;
	[tilespmem:$0x1F000] =	vst v63  }
0xf0: {  	_ =	swait.ge [sflag:s22], $0x2800  }
0xf1: {  	p0 =	sgt.u32 s28, $0x78;
	[sflag:s22] =	ssyncset.done $0x0  }
0xf2: {  	s2 =	simm.s32 @!p0 $0x1;
	[sflag:s22] =	ssyncadd.s32 $0xFFFFD800  }
0xf3: {  	_ =	swait.ge @!p0 [sflag:s2], $0x50  }
0xf4: {  	[sflag:s2] =	ssyncset.done @!p0 $0x0  }
0xf5: {  	[sflag:s2] =	ssyncadd.s32 @!p0 $0xFFFFFFB0  }
0xf6: {  	p1 =	sgt.u32 @!p0 s28, $0x6C;
	_ =	swait.ge @!p0 [sflag:s2], $0x50  }
0xf7: {  	s0 =	sand.u32 @!p0 $0x1E00, s0;
	p1 =	por p1, p0;
	[sflag:s2] =	ssyncset.done @!p0 $0x0  }
0xf8: {  	s0 =	sshrl.u32 @!p0 s0, $0x2;
	s7 =	simm.s32 @!p0 $0x50;
	[sflag:s2] =	ssyncadd.s32 @!p0 $0xFFFFFFB0  }
0xf9: {  	[tilespmem:s4], [sflag:$0x2] =	stream.indirect.gather @!p0 [hbm4b:s3+s7], $0x80, s0, s7, $0xb8;
	[tilespmem:$0x1F000] =	vst v63  }
0xfa: {  	s2 =	simm.s32 @!p1 $0x0;
	s0 =	sand.u32 @!p1 $0x780, s31  }
0xfb: {  	[tilespmem:s0], [sflag:$0x1] =	stream.linear.gather @!p1 [hbm4b:s29+s2], $0x50, $0x38;
	[tilespmem:$0x1F000] =	vst v63  }
0xfc: {  	s28 =	stileid.u32;
	s0 =	sor.u32 @!p1 $0x800, s0  }
0xfd: {  	[tilespmem:s0], [sflag:$0x1] =	stream.linear.gather @!p1 [hbm4b:s30+s2], $0x50, $0x38;
	[tilespmem:$0x1F000] =	vst v63  }
0xfe: {  	s0 =	sshll.u32 s28, $0x6;
	[bflag:$0x0] =	sbarrier.arrive $0xFFFF  }
0xff: {  	s29 =	sshrl.u32 s9, $0x3;
	s0 =	sor.u32 $0x1C03, s0;
	s30 =	rddreg [dreg:$0x14]  }
0x100: {  	[hbm:s30], [sflag:s0] =	dma.local [spmem:s29], $0x2800  }
0x101: {  	_ =	swait.ge [sflag:s22], $0x2800  }
0x102: {  	s31 =	sld [smem:$0x7F8];
	_ =	sdelay $0x1  }
0x103: {  	s26 =	sadd.s32 $0x1, s26  }
0x104: {  	p0 =	sne.s32 s26, s31  }
.Ltmp2:
0x105: {  	_ = 	snop;
	(pc) =	sbr.rel @p0 .LBB2_1-.Ltmp2, $3  }
0x106: {  	_ =	sdelay $0x1  }
0x107: {  	[sflag:s22] =	ssyncset.done $0x0  }
0x108: {  	s4 =	simm.s32 $0x80;
	[sflag:s22] =	ssyncadd.s32 $0xFFFFD800  }
0x109: {  	_ =	sfence.sel $0x180000  }
0x10a: {  	[bflag:$0x0] =	sbarrier.arrive $0xFFFF  }
0x10b: {  	_ =	strace $0x90000047  }
0x10c: {  	s0 =	stileid.u32;
	[bflag:$0x2] =	sbarrier.arrive $0xFFFF  }
0x10d: {  	p0 =	sne.s32 s0, $0x0;
	s0 =	rddreg [dreg:$0x3]  }
0x10e: {  	s0 =	sadd.s32 @!p0 $0x100000, s0  }
0x10f: {  	[sflag:s0] =	ssyncadd.tile.s32 @!p0 $0x1;
	_ =	shalt  }
.Lfunc_end2:
_tile_overlayer_lowered:
.L_overlay_start_2:
0x110: {  	(tag) =	ssettag $0x2  }
0x111: {  	s0 =	rddreg [dreg:$0x0];
	s2 =	stileid.u32  }
0x112: {  	s1 =	rddreg [dreg:$0x1];
	p0 =	sne.s32 s2, $0x0  }
0x113: {  	s3 =	rddreg [dreg:$0x2];
	[bflag:$0x3] =	sbarrier.arrive $0xFFFF;
	s2 =	simm.s32 @!p0 $0x1C03  }
0x114: {  	[timem:s3], [sflag:s2] =	dma.local @!p0 [hbm:s0], s1  }
0x115: {  	s0 =	simm.s32 @!p0 $0x3  }
0x116: {  	_ =	swait.ge @!p0 [sflag:s0], s1  }
0x117: {  	s1 =	ssub.s32 @!p0 $0x0, s1;
	[sflag:s0] =	ssyncset.done @!p0 $0x0  }
0x118: {  	[sflag:s0] =	ssyncadd.s32 @!p0 s1  }
0x119: {  	[bflag:$0x3] =	sbarrier.arrive $0xFFFF  }
0x11a: {  	_ =	shalt  }

</sc_bundles>
